<compile_context>
chip_gen: v7x
topology: tpu7x:2x2x1
jax: 0.10.2.dev20260603
libtpu: 0.0.44.dev20260713+nightly
codegen_flags: <defaults>
</compile_context>

<pallas_src>
import functools

import jax
import jax.numpy as jnp
from jax import lax
from jax.experimental import pallas as pl
from jax.experimental.pallas import tpu as pltpu
from jax.experimental.pallas import tpu_sc as plsc

NC, NS = 2, 16
NW = NC * NS
K = 128
SW = 128


def _round_up(a, b):
    return -(-a // b) * b


def _pre_body(x_ref, w_ref, b_ref, o_ref):
    o_ref[...] = (
        jnp.dot(x_ref[...], w_ref[...], preferred_element_type=jnp.float32)
        + b_ref[...]
    )


def _pre(xp, WT, b, Bn=1024):
    Np, D = xp.shape
    return pl.pallas_call(
        _pre_body,
        grid=(Np // Bn,),
        in_specs=[
            pl.BlockSpec((Bn, D), lambda i: (i, 0)),
            pl.BlockSpec((D, D), lambda i: (0, 0)),
            pl.BlockSpec((1, D), lambda i: (0, 0)),
        ],
        out_specs=pl.BlockSpec((Bn, D), lambda i: (i, 0)),
        out_shape=jax.ShapeDtypeStruct((Np, D), jnp.float32),
    )(xp, WT, b)


def _gather(x1, row_p, col_p, m0_frac=0.5):
    Np, D = x1.shape
    Ep = row_p.shape[0]
    tot = (Ep // K) // NS
    m0 = int(round(tot * m0_frac))
    m1 = tot - m0
    mesh = plsc.VectorSubcoreMesh(core_axis_name="c", subcore_axis_name="s")

    @functools.partial(
        pl.kernel,
        mesh=mesh,
        out_type=[
            jax.ShapeDtypeStruct((Ep, D), jnp.float32),
            jax.ShapeDtypeStruct((Ep, D), jnp.float32),
        ],
        scratch_types=[
            pltpu.VMEM((K,), jnp.int32),
            pltpu.VMEM((K,), jnp.int32),
            pltpu.VMEM((K, D), jnp.float32),
            pltpu.VMEM((K, D), jnp.float32),
            pltpu.SemaphoreType.DMA,
            pltpu.SemaphoreType.DMA,
        ],
    )
    def k(x1_hbm, row_hbm, col_hbm, gr_hbm, gc_hbm, idx_r, idx_c, bufr, bufc,
          semr, semc):
        c = lax.axis_index("c")
        s = lax.axis_index("s")
        m = jnp.where(c == 0, m0, m1)
        base0 = K * jnp.where(c == 0, s * m0, NS * m0 + s * m1)

        def body(j, carry):
            base = base0 + j * K
            pltpu.sync_copy(row_hbm.at[pl.ds(base, K)], idx_r)
            pltpu.sync_copy(col_hbm.at[pl.ds(base, K)], idx_c)
            cr = pltpu.async_copy(x1_hbm.at[idx_r], bufr, semr)
            cc = pltpu.async_copy(x1_hbm.at[idx_c], bufc, semc)
            cr.wait()
            cc.wait()
            pltpu.sync_copy(bufr, gr_hbm.at[pl.ds(base, K)])
            pltpu.sync_copy(bufc, gc_hbm.at[pl.ds(base, K)])
            return carry

        lax.fori_loop(0, m, body, 0)

    return k(x1, row_p, col_p)


def _edge_body(gr_ref, gc_ref, e4_ref, ar_ref, ac_ref, ux_ref, ae_ref, ue_ref,
               wa2_ref, we2_ref, ba1_ref, be1_ref, ba2_ref, be2_ref, s_ref,
               ea_ref):
    bf = jnp.bfloat16
    gr = gr_ref[...]
    gc = gc_ref[...]
    d = gr - gc
    g = jnp.sqrt(jnp.sum(d * d, axis=1, keepdims=True) + 1e-12)
    e4 = e4_ref[...]
    emask = e4[:, 3:4]
    ea = jnp.concatenate([e4[:, :3], g], axis=1)
    h = (
        jnp.dot(gr.astype(bf), ar_ref[...], preferred_element_type=jnp.float32)
        + jnp.dot(gc.astype(bf), ac_ref[...], preferred_element_type=jnp.float32)
        + jnp.dot(ea, ae_ref[...], preferred_element_type=jnp.float32)
        + ba1_ref[...]
    )
    hs = h * jax.nn.sigmoid(h)
    att = jax.nn.sigmoid(
        jnp.dot(hs, wa2_ref[...], preferred_element_type=jnp.float32)
        + ba2_ref[...]
    ) * emask
    hm = (
        jnp.dot((gc - gr).astype(bf), ux_ref[...],
                preferred_element_type=jnp.float32)
        + jnp.dot(ea, ue_ref[...], preferred_element_type=jnp.float32)
        + be1_ref[...]
    )
    hm = hm * jax.nn.sigmoid(hm)
    msg = jnp.dot(hm.astype(bf), we2_ref[...],
                  preferred_element_type=jnp.float32) + be2_ref[...]
    s_ref[...] = msg * att
    ea_ref[...] = ea


def _edge(Gr, Gc, e4, ArT, AcT, UxT, AeT, UeT, wa2c, We2T, ba1, be1, ba2, be2,
          B=1024):
    Ep, D = Gr.shape
    full = lambda shape: pl.BlockSpec(shape, lambda i: (0, 0))
    return pl.pallas_call(
        _edge_body,
        grid=(Ep // B,),
        in_specs=[
            pl.BlockSpec((B, D), lambda i: (i, 0)),
            pl.BlockSpec((B, D), lambda i: (i, 0)),
            pl.BlockSpec((B, 4), lambda i: (i, 0)),
            full((D, D)), full((D, D)), full((D, D)),
            full((4, D)), full((4, D)), full((D, 1)), full((D, D)),
            full((1, D)), full((1, D)), full((1, 1)), full((1, D)),
        ],
        out_specs=[
            pl.BlockSpec((B, SW), lambda i: (i, 0)),
            pl.BlockSpec((B, 4), lambda i: (i, 0)),
        ],
        out_shape=[
            jax.ShapeDtypeStruct((Ep, SW), jnp.float32),
            jax.ShapeDtypeStruct((Ep, 4), jnp.float32),
        ],
    )(Gr, Gc, e4, ArT, AcT, UxT, AeT, UeT, wa2c, We2T, ba1, be1, ba2, be2)


def _scatter(s_full, row_p, zrows, Npad):
    Ep = s_full.shape[0]
    per_w = Ep // NW
    nchunk = per_w // K
    rows_per = Npad // NS
    mesh = plsc.VectorSubcoreMesh(core_axis_name="c", subcore_axis_name="s")

    @functools.partial(
        pl.kernel,
        mesh=mesh,
        out_type=jax.ShapeDtypeStruct((NC, Npad, SW), jnp.float32),
        scratch_types=[
            pltpu.VMEM((K,), jnp.int32),
            pltpu.VMEM((K, SW), jnp.float32),
            pltpu.VMEM_SHARED((Npad, SW), jnp.float32),
        ],
    )
    def k(s_hbm, row_hbm, z_hbm, out_hbm, idxA, bufA, shared):
        c = lax.axis_index("c")
        s = lax.axis_index("s")

        pltpu.sync_copy(z_hbm, bufA)

        def zbody(j, carry):
            pltpu.sync_copy(bufA, shared.at[pl.ds(s * rows_per + j * K, K)])
            return carry

        lax.fori_loop(0, rows_per // K, zbody, 0)
        plsc.subcore_barrier()

        base0 = (c * NS + s) * per_w

        def body(j, carry):
            base = base0 + j * K
            pltpu.sync_copy(row_hbm.at[pl.ds(base, K)], idxA)
            pltpu.sync_copy(s_hbm.at[pl.ds(base, K)], bufA)
            pltpu.sync_copy(bufA, shared.at[idxA], add=True)
            return carry

        lax.fori_loop(0, nchunk, body, 0)
        plsc.subcore_barrier()

        def obody(j, carry):
            r0 = s * rows_per + j * K
            pltpu.sync_copy(shared.at[pl.ds(r0, K)], bufA)
            pltpu.sync_copy(bufA, out_hbm.at[c, pl.ds(r0, K)])
            return carry

        lax.fori_loop(0, rows_per // K, obody, 0)

    return k(s_full, row_p, zrows)


def _post_body(sp_ref, x1_ref, wn1_ref, bn1_ref, wn2_ref,
               bn2_ref, lns_ref, lnb_ref, o_ref):
    agg = sp_ref[0, :, :] + sp_ref[1, :, :]
    h = jnp.dot(agg, wn1_ref[...], preferred_element_type=jnp.float32) + bn1_ref[...]
    h = h * jax.nn.sigmoid(h)
    out = jnp.dot(h, wn2_ref[...], preferred_element_type=jnp.float32) + bn2_ref[...]
    y = x1_ref[...] + out
    mu = jnp.mean(y, axis=1, keepdims=True)
    yc = y - mu
    var = jnp.mean(yc * yc, axis=1, keepdims=True)
    yn = yc / jnp.sqrt(var + 1e-5) * lns_ref[...] + lnb_ref[...]
    o_ref[...] = yn * jax.nn.sigmoid(yn)


def _post(Sp, x1, Wn1T, bn1, Wn2T, bn2, lns, lnb, Bn=1024):
    Np, D = x1.shape
    full = lambda shape: pl.BlockSpec(shape, lambda i: (0, 0))
    return pl.pallas_call(
        _post_body,
        grid=(Np // Bn,),
        in_specs=[
            pl.BlockSpec((NC, Bn, SW), lambda i: (0, i, 0)),
            pl.BlockSpec((Bn, D), lambda i: (i, 0)),
            full((D, D)), full((1, D)),
            full((D, D)), full((1, D)),
            full((1, D)), full((1, D)),
        ],
        out_specs=pl.BlockSpec((Bn, D), lambda i: (i, 0)),
        out_shape=jax.ShapeDtypeStruct((Np, D), jnp.float32),
    )(Sp, x1, Wn1T, bn1, Wn2T, bn2, lns, lnb)


def kernel(x, edge_attr, edges, node_mask, edge_mask, W_lin, bias, We1, be1,
           We2, be2, Wn1, bn1, Wn2, bn2, Wa1, ba1, Wa2, ba2, ln_scale,
           ln_bias):
    N, D = x.shape
    E = edges.shape[1]
    Np = _round_up(N, NS * K)
    Ep = _round_up(E, NW * K)

    xp = jnp.pad(x, ((0, Np - N), (0, 0)))
    row_p = jnp.pad(edges[0], (0, Ep - E))
    col_p = jnp.pad(edges[1], (0, Ep - E))
    e4 = jnp.pad(
        jnp.concatenate([edge_attr, edge_mask], axis=1), ((0, Ep - E), (0, 0))
    )
    zrows = jnp.zeros((K, SW), jnp.float32)

    ArT = Wa1[:, :D].T
    AcT = Wa1[:, D:2 * D].T
    AeT = Wa1[:, 2 * D:].T
    UxT = We1[:, :D].T
    UeT = We1[:, D:].T
    wa2c = Wa2.T
    ba2r = ba2.reshape(1, 1)
    ba1r = ba1.reshape(1, D)
    be1r = be1.reshape(1, D)
    lns = ln_scale.reshape(1, D)
    lnb = ln_bias.reshape(1, D)

    x1 = _pre(xp, W_lin.T, bias)
    Gr, Gc = _gather(x1, row_p, col_p, m0_frac=0.5)
    bf = jnp.bfloat16
    s_full, ea_p = _edge(Gr, Gc, e4, ArT.astype(bf), AcT.astype(bf),
                         UxT.astype(bf), AeT, UeT, wa2c, We2.T.astype(bf),
                         ba1r, be1r, ba2r, be2.reshape(1, D))
    Sp = _scatter(s_full, row_p, zrows, Np)
    x_out = _post(Sp, x1, Wn1.T, bn1.reshape(1, D),
                  Wn2.T, bn2.reshape(1, D), lns, lnb)

    return (x_out[:N], ea_p[:E], edges, node_mask, edge_mask)

# --- scband reference (transcript-rebuilt; emitter-appended) ---
"""Pipeline reference for scband-hgclayer-54296976556715 (READ-ONLY COPY).

The authoritative reference and input builder live on the scoring server;
editing this copy changes nothing except your own understanding.
"""

import jax, jax.numpy as jnp
import numpy as np


def _layernorm(x, scale, bias, eps=1e-5):
    m = jnp.mean(x, axis=-1, keepdims=True)
    v = jnp.var(x, axis=-1, keepdims=True)
    return (x - m) / jnp.sqrt(v + eps) * scale + bias


def setup_inputs(seed: int = 0):
    key = jax.random.key(seed)
    ks = jax.random.split(key, 16)
    N, E, D, ED = 10000, 320000, 128, 3

    def lin(k, o, i):
        s = 1.0 / np.sqrt(i)
        k1, k2 = jax.random.split(k)
        W = jax.random.uniform(k1, (o, i), minval=-s, maxval=s, dtype=jnp.float32)
        b = jax.random.uniform(k2, (o,), minval=-s, maxval=s, dtype=jnp.float32)
        return W, b

    inp = {}
    inp["x"] = jax.random.normal(ks[0], (N, D), dtype=jnp.float32)
    inp["edge_attr"] = jax.random.normal(ks[1], (E, ED), dtype=jnp.float32)
    inp["edges"] = jax.random.randint(ks[2], (2, E), 0, N, dtype=jnp.int32)
    inp["node_mask"] = jnp.ones((N, 1), dtype=jnp.float32)
    inp["edge_mask"] = jnp.ones((E, 1), dtype=jnp.float32)
    inp["W_lin"], _ = lin(ks[3], D, D)
    inp["bias"] = jnp.zeros((1, D), dtype=jnp.float32)
    inp["We1"], inp["be1"] = lin(ks[4], D, D + ED + 1)
    inp["We2"], inp["be2"] = lin(ks[5], D, D)
    inp["Wn1"], inp["bn1"] = lin(ks[6], D, D)
    inp["Wn2"], inp["bn2"] = lin(ks[7], D, D)
    inp["Wa1"], inp["ba1"] = lin(ks[8], D, 2 * D + ED + 1)
    inp["Wa2"], inp["ba2"] = lin(ks[9], 1, D)
    inp["ln_scale"] = jnp.ones((D,), dtype=jnp.float32)
    inp["ln_bias"] = jnp.zeros((D,), dtype=jnp.float32)
    return inp


def reference(x, edge_attr, edges, node_mask, edge_mask, W_lin, bias, We1, be1, We2, be2, Wn1, bn1, Wn2, bn2, Wa1, ba1, Wa2, ba2, ln_scale, ln_bias):
    # Euclidean manifold: logmap0/expmap0 = identity, expmap(x,u)=x+u,
    # logmap(x,y)=y-x, transp0/transp0back = identity, dist = L2 norm,
    # proj_tan0 = identity (non-Lorentz branch).
    N = x.shape[0]
    x = x @ W_lin.T                      # self.linear (no bias)
    x = x + bias                         # expmap(x, transp0(x, bias))
    x_tan = x                            # logmap0(x)
    row, col = edges[0], edges[1]
    diff = x[row] - x[col]
    geodesic = jnp.sqrt(jnp.sum(diff * diff, axis=-1, keepdims=True) + 1e-12)
    ea = jnp.concatenate([edge_attr, geodesic], axis=-1)
    # DenseAtt: MLP(cat(x_i, x_j, edge_attr)) -> sigmoid, masked by edge_mask
    att_in = jnp.concatenate([x_tan[row], x_tan[col], ea], axis=-1)
    h = jax.nn.silu(att_in @ Wa1.T + ba1)
    att = jax.nn.sigmoid(h @ Wa2.T + ba2) * edge_mask
    x_local = x[col] - x[row]            # logmap(x[row], x[col]) in Euclidean
    m = jnp.concatenate([x_local, ea], axis=-1)
    m = (jax.nn.silu(m @ We1.T + be1)) @ We2.T + be2
    m = m * att
    agg = jax.ops.segment_sum(m, row, num_segments=N)  # unsorted_segment_sum, norm_factor=1
    out = (jax.nn.silu(agg @ Wn1.T + bn1)) @ Wn2.T + bn2
    x = x + out                          # expmap(x, support_t)
    x = _layernorm(x, ln_scale, ln_bias)
    x = jax.nn.silu(x)
    return (x, ea, edges, node_mask, edge_mask)

if __name__ == "__main__":
    import jax
    _d = setup_inputs()
    print(jax.jit(kernel)(*tuple(_d.values())))

</pallas_src>

<mosaic_0001>
#map = affine_map<(d0, d1) -> (0, 0)>
#map1 = affine_map<(d0, d1) -> (0)>
#map2 = affine_map<(d0, d1) -> (0, 0, 0)>
module attributes {stable_mosaic.version = 14 : i64} {
  func.func @k(%arg0: i32, %arg1: i32, %arg2: memref<323584x128xf32, #tpu.memory_space<hbm>>, %arg3: memref<323584xi32, #tpu.memory_space<hbm>>, %arg4: memref<128x128xf32, #tpu.memory_space<hbm>>, %arg5: memref<2x10240x128xf32, #tpu.memory_space<hbm>>, %arg6: memref<128xi32, #tpu.memory_space<vmem>>, %arg7: memref<128x128xf32, #tpu.memory_space<vmem>>, %arg8: memref<10240x128xf32, #tpu.memory_space<vmem_shared>>) attributes {dimension_semantics = [#tpu.dimension_semantics<core_parallel>, #tpu.dimension_semantics<subcore_parallel>], iteration_bounds = array<i64: 2, 16>, scalar_prefetch = 0 : i64, scratch_operands = 3 : i64, tpu.core_type = #tpu.core_type<sc_vector_subcore>, window_params = [{transform_indices = #map}, {transform_indices = #map1}, {transform_indices = #map}, {transform_indices = #map2}]} {
    "tpu.region"() ({
      %run_scoped3A = tpu.sem_alloc : memref<!tpu.dma_semaphore, #tpu.memory_space<semaphore_mem>>
      tpu.enqueue_dma source(%arg4 : memref<128x128xf32, #tpu.memory_space<hbm>>) target(%arg7 : memref<128x128xf32, #tpu.memory_space<vmem>>) target_semaphore(%run_scoped3A : memref<!tpu.dma_semaphore, #tpu.memory_space<semaphore_mem>>)
      tpu.wait_dma2 semaphore(%run_scoped3A : memref<!tpu.dma_semaphore, #tpu.memory_space<semaphore_mem>>) src(%arg4 : memref<128x128xf32, #tpu.memory_space<hbm>>) dst(%arg7 : memref<128x128xf32, #tpu.memory_space<vmem>>)
      tpu.yield
    }) : () -> ()
    %scan3A = arith.constant 0 : i32
    %scan3A_0 = arith.constant 0 : i32
    %scan3A_1 = arith.constant 5 : i32
    %scan3A_2 = arith.addi %scan3A_0, %scan3A_1 : i32
    %scan3A_3 = arith.constant 1 : i32
    scf.for %scan3A_21 = %scan3A_0 to %scan3A_2 step %scan3A_3  : i32 {
      %mul3A_22 = arith.constant 640 : i32
      %mul3A_23 = arith.muli %arg1, %mul3A_22 : i32
      %mul3A_24 = arith.constant 128 : i32
      %mul3A_25 = arith.muli %scan3A_21, %mul3A_24 : i32
      %add3A_26 = arith.addi %mul3A_23, %mul3A_25 : i32
      "tpu.region"() ({
        %run_scoped3A = tpu.sem_alloc : memref<!tpu.dma_semaphore, #tpu.memory_space<semaphore_mem>>
        %dma_start3A = arith.constant 0 : i32
        %dma_start3A_27 = tpu.memref_slice %arg8[%add3A_26, %dma_start3A] : memref<10240x128xf32, #tpu.memory_space<vmem_shared>> -> memref<128x128xf32, #tpu.memory_space<vmem_shared>>
        %dma_start3A_28 = arith.constant 0 : i32
        %dma_start3A_29 = tpu.memref_slice %arg8[%add3A_26, %dma_start3A_28] : memref<10240x128xf32, #tpu.memory_space<vmem_shared>> -> memref<128x128xf32, #tpu.memory_space<vmem_shared>>
        tpu.enqueue_dma source(%arg7 : memref<128x128xf32, #tpu.memory_space<vmem>>) target(%dma_start3A_29 : memref<128x128xf32, #tpu.memory_space<vmem_shared>>) target_semaphore(%run_scoped3A : memref<!tpu.dma_semaphore, #tpu.memory_space<semaphore_mem>>)
        %dma_wait3A = arith.constant 0 : i32
        %dma_wait3A_30 = tpu.memref_slice %arg8[%add3A_26, %dma_wait3A] : memref<10240x128xf32, #tpu.memory_space<vmem_shared>> -> memref<128x128xf32, #tpu.memory_space<vmem_shared>>
        %dma_wait3A_31 = arith.constant 0 : i32
        %dma_wait3A_32 = tpu.memref_slice %arg8[%add3A_26, %dma_wait3A_31] : memref<10240x128xf32, #tpu.memory_space<vmem_shared>> -> memref<128x128xf32, #tpu.memory_space<vmem_shared>>
        tpu.wait_dma2 semaphore(%run_scoped3A : memref<!tpu.dma_semaphore, #tpu.memory_space<semaphore_mem>>) src(%arg7 : memref<128x128xf32, #tpu.memory_space<vmem>>) dst(%dma_wait3A_32 : memref<128x128xf32, #tpu.memory_space<vmem_shared>>)
        tpu.yield
      }) : () -> ()
    }
    %scan3A_4 = arith.constant 5 : i32
    %barrier3A = arith.constant 0 : index
    tpu.barrier barrier_id(%barrier3A)
    %mul3A = arith.constant 16 : i32
    %mul3A_5 = arith.muli %arg0, %mul3A : i32
    %add3A = arith.addi %mul3A_5, %arg1 : i32
    %mul3A_6 = arith.constant 10112 : i32
    %mul3A_7 = arith.muli %add3A, %mul3A_6 : i32
    %scan3A_8 = arith.constant 0 : i32
    %scan3A_9 = arith.constant 0 : i32
    %scan3A_10 = arith.constant 79 : i32
    %scan3A_11 = arith.addi %scan3A_9, %scan3A_10 : i32
    %scan3A_12 = arith.constant 1 : i32
    scf.for %scan3A_21 = %scan3A_9 to %scan3A_11 step %scan3A_12  : i32 {
      %mul3A_22 = arith.constant 128 : i32
      %mul3A_23 = arith.muli %scan3A_21, %mul3A_22 : i32
      %add3A_24 = arith.addi %mul3A_7, %mul3A_23 : i32
      "tpu.region"() ({
        %run_scoped3A = tpu.sem_alloc : memref<!tpu.dma_semaphore, #tpu.memory_space<semaphore_mem>>
        %dma_start3A = tpu.memref_slice %arg3[%add3A_24] : memref<323584xi32, #tpu.memory_space<hbm>> -> memref<128xi32, #tpu.memory_space<hbm>>
        %dma_start3A_25 = tpu.memref_slice %arg3[%add3A_24] : memref<323584xi32, #tpu.memory_space<hbm>> -> memref<128xi32, #tpu.memory_space<hbm>>
        tpu.enqueue_dma source(%dma_start3A_25 : memref<128xi32, #tpu.memory_space<hbm>>) target(%arg6 : memref<128xi32, #tpu.memory_space<vmem>>) target_semaphore(%run_scoped3A : memref<!tpu.dma_semaphore, #tpu.memory_space<semaphore_mem>>)
        %dma_wait3A = tpu.memref_slice %arg3[%add3A_24] : memref<323584xi32, #tpu.memory_space<hbm>> -> memref<128xi32, #tpu.memory_space<hbm>>
        %dma_wait3A_26 = tpu.memref_slice %arg3[%add3A_24] : memref<323584xi32, #tpu.memory_space<hbm>> -> memref<128xi32, #tpu.memory_space<hbm>>
        tpu.wait_dma2 semaphore(%run_scoped3A : memref<!tpu.dma_semaphore, #tpu.memory_space<semaphore_mem>>) src(%dma_wait3A_26 : memref<128xi32, #tpu.memory_space<hbm>>) dst(%arg6 : memref<128xi32, #tpu.memory_space<vmem>>)
        tpu.yield
      }) : () -> ()
      "tpu.region"() ({
        %run_scoped3A = tpu.sem_alloc : memref<!tpu.dma_semaphore, #tpu.memory_space<semaphore_mem>>
        %dma_start3A = arith.constant 0 : i32
        %dma_start3A_25 = tpu.memref_slice %arg2[%add3A_24, %dma_start3A] : memref<323584x128xf32, #tpu.memory_space<hbm>> -> memref<128x128xf32, #tpu.memory_space<hbm>>
        %dma_start3A_26 = arith.constant 0 : i32
        %dma_start3A_27 = tpu.memref_slice %arg2[%add3A_24, %dma_start3A_26] : memref<323584x128xf32, #tpu.memory_space<hbm>> -> memref<128x128xf32, #tpu.memory_space<hbm>>
        tpu.enqueue_dma source(%dma_start3A_27 : memref<128x128xf32, #tpu.memory_space<hbm>>) target(%arg7 : memref<128x128xf32, #tpu.memory_space<vmem>>) target_semaphore(%run_scoped3A : memref<!tpu.dma_semaphore, #tpu.memory_space<semaphore_mem>>)
        %dma_wait3A = arith.constant 0 : i32
        %dma_wait3A_28 = tpu.memref_slice %arg2[%add3A_24, %dma_wait3A] : memref<323584x128xf32, #tpu.memory_space<hbm>> -> memref<128x128xf32, #tpu.memory_space<hbm>>
        %dma_wait3A_29 = arith.constant 0 : i32
        %dma_wait3A_30 = tpu.memref_slice %arg2[%add3A_24, %dma_wait3A_29] : memref<323584x128xf32, #tpu.memory_space<hbm>> -> memref<128x128xf32, #tpu.memory_space<hbm>>
        tpu.wait_dma2 semaphore(%run_scoped3A : memref<!tpu.dma_semaphore, #tpu.memory_space<semaphore_mem>>) src(%dma_wait3A_30 : memref<128x128xf32, #tpu.memory_space<hbm>>) dst(%arg7 : memref<128x128xf32, #tpu.memory_space<vmem>>)
        tpu.yield
      }) : () -> ()
      "tpu.region"() ({
        %run_scoped3A = tpu.sem_alloc : memref<!tpu.dma_semaphore, #tpu.memory_space<semaphore_mem>>
        %dma_start3A = arith.constant 0 : i32
        %dma_start3A_25 = arith.constant 0 : i32
        %dma_start3A_26 = tpu.memref_slice %arg8[%dma_start3A, %dma_start3A_25] : memref<10240x128xf32, #tpu.memory_space<vmem_shared>> -> memref<10240x128xf32, #tpu.memory_space<vmem_shared>>
        tpu.enqueue_indirect_dma source(%arg7 : memref<128x128xf32, #tpu.memory_space<vmem>>) target(%dma_start3A_26 : memref<10240x128xf32, #tpu.memory_space<vmem_shared>>) offsets(%arg6 : memref<128xi32, #tpu.memory_space<vmem>>) semaphore(%run_scoped3A : memref<!tpu.dma_semaphore, #tpu.memory_space<semaphore_mem>>) {add = true}
        %dma_wait3A = arith.constant 0 : i32
        %dma_wait3A_27 = arith.constant 0 : i32
        %dma_wait3A_28 = tpu.memref_slice %arg8[%dma_wait3A, %dma_wait3A_27] : memref<10240x128xf32, #tpu.memory_space<vmem_shared>> -> memref<10240x128xf32, #tpu.memory_space<vmem_shared>>
        tpu.wait_indirect_dma semaphore(%run_scoped3A : memref<!tpu.dma_semaphore, #tpu.memory_space<semaphore_mem>>) src(%arg7 : memref<128x128xf32, #tpu.memory_space<vmem>>) dst(%dma_wait3A_28 : memref<10240x128xf32, #tpu.memory_space<vmem_shared>>)
        tpu.yield
      }) : () -> ()
    }
    %scan3A_13 = arith.constant 79 : i32
    %barrier3A_14 = arith.constant 0 : index
    tpu.barrier barrier_id(%barrier3A_14)
    %scan3A_15 = arith.constant 0 : i32
    %scan3A_16 = arith.constant 0 : i32
    %scan3A_17 = arith.constant 5 : i32
    %scan3A_18 = arith.addi %scan3A_16, %scan3A_17 : i32
    %scan3A_19 = arith.constant 1 : i32
    scf.for %scan3A_21 = %scan3A_16 to %scan3A_18 step %scan3A_19  : i32 {
      %mul3A_22 = arith.constant 640 : i32
      %mul3A_23 = arith.muli %arg1, %mul3A_22 : i32
      %mul3A_24 = arith.constant 128 : i32
      %mul3A_25 = arith.muli %scan3A_21, %mul3A_24 : i32
      %add3A_26 = arith.addi %mul3A_23, %mul3A_25 : i32
      "tpu.region"() ({
        %run_scoped3A = tpu.sem_alloc : memref<!tpu.dma_semaphore, #tpu.memory_space<semaphore_mem>>
        %dma_start3A = arith.constant 0 : i32
        %dma_start3A_27 = tpu.memref_slice %arg8[%add3A_26, %dma_start3A] : memref<10240x128xf32, #tpu.memory_space<vmem_shared>> -> memref<128x128xf32, #tpu.memory_space<vmem_shared>>
        %dma_start3A_28 = arith.constant 0 : i32
        %dma_start3A_29 = tpu.memref_slice %arg8[%add3A_26, %dma_start3A_28] : memref<10240x128xf32, #tpu.memory_space<vmem_shared>> -> memref<128x128xf32, #tpu.memory_space<vmem_shared>>
        tpu.enqueue_dma source(%dma_start3A_29 : memref<128x128xf32, #tpu.memory_space<vmem_shared>>) target(%arg7 : memref<128x128xf32, #tpu.memory_space<vmem>>) target_semaphore(%run_scoped3A : memref<!tpu.dma_semaphore, #tpu.memory_space<semaphore_mem>>)
        %dma_wait3A = arith.constant 0 : i32
        %dma_wait3A_30 = tpu.memref_slice %arg8[%add3A_26, %dma_wait3A] : memref<10240x128xf32, #tpu.memory_space<vmem_shared>> -> memref<128x128xf32, #tpu.memory_space<vmem_shared>>
        %dma_wait3A_31 = arith.constant 0 : i32
        %dma_wait3A_32 = tpu.memref_slice %arg8[%add3A_26, %dma_wait3A_31] : memref<10240x128xf32, #tpu.memory_space<vmem_shared>> -> memref<128x128xf32, #tpu.memory_space<vmem_shared>>
        tpu.wait_dma2 semaphore(%run_scoped3A : memref<!tpu.dma_semaphore, #tpu.memory_space<semaphore_mem>>) src(%dma_wait3A_32 : memref<128x128xf32, #tpu.memory_space<vmem_shared>>) dst(%arg7 : memref<128x128xf32, #tpu.memory_space<vmem>>)
        tpu.yield
      }) : () -> ()
      "tpu.region"() ({
        %run_scoped3A = tpu.sem_alloc : memref<!tpu.dma_semaphore, #tpu.memory_space<semaphore_mem>>
        %dma_start3A = arith.constant 0 : i32
        %dma_start3A_27 = tpu.memref_slice %arg5[%arg0, %add3A_26, %dma_start3A] : memref<2x10240x128xf32, #tpu.memory_space<hbm>> -> memref<1x128x128xf32, #tpu.memory_space<hbm>>
        %dma_start3A_28 = tpu.memref_squeeze %dma_start3A_27 : memref<1x128x128xf32, #tpu.memory_space<hbm>> -> memref<128x128xf32, #tpu.memory_space<hbm>>
        %dma_start3A_29 = arith.constant 0 : i32
        %dma_start3A_30 = tpu.memref_slice %arg5[%arg0, %add3A_26, %dma_start3A_29] : memref<2x10240x128xf32, #tpu.memory_space<hbm>> -> memref<1x128x128xf32, #tpu.memory_space<hbm>>
        %dma_start3A_31 = tpu.memref_squeeze %dma_start3A_30 : memref<1x128x128xf32, #tpu.memory_space<hbm>> -> memref<128x128xf32, #tpu.memory_space<hbm>>
        tpu.enqueue_dma source(%arg7 : memref<128x128xf32, #tpu.memory_space<vmem>>) target(%dma_start3A_31 : memref<128x128xf32, #tpu.memory_space<hbm>>) target_semaphore(%run_scoped3A : memref<!tpu.dma_semaphore, #tpu.memory_space<semaphore_mem>>)
        %dma_wait3A = arith.constant 0 : i32
        %dma_wait3A_32 = tpu.memref_slice %arg5[%arg0, %add3A_26, %dma_wait3A] : memref<2x10240x128xf32, #tpu.memory_space<hbm>> -> memref<1x128x128xf32, #tpu.memory_space<hbm>>
        %dma_wait3A_33 = tpu.memref_squeeze %dma_wait3A_32 : memref<1x128x128xf32, #tpu.memory_space<hbm>> -> memref<128x128xf32, #tpu.memory_space<hbm>>
        %dma_wait3A_34 = arith.constant 0 : i32
        %dma_wait3A_35 = tpu.memref_slice %arg5[%arg0, %add3A_26, %dma_wait3A_34] : memref<2x10240x128xf32, #tpu.memory_space<hbm>> -> memref<1x128x128xf32, #tpu.memory_space<hbm>>
        %dma_wait3A_36 = tpu.memref_squeeze %dma_wait3A_35 : memref<1x128x128xf32, #tpu.memory_space<hbm>> -> memref<128x128xf32, #tpu.memory_space<hbm>>
        tpu.wait_dma2 semaphore(%run_scoped3A : memref<!tpu.dma_semaphore, #tpu.memory_space<semaphore_mem>>) src(%arg7 : memref<128x128xf32, #tpu.memory_space<vmem>>) dst(%dma_wait3A_36 : memref<128x128xf32, #tpu.memory_space<hbm>>)
        tpu.yield
      }) : () -> ()
    }
    %scan3A_20 = arith.constant 5 : i32
    return
  }
}

#map = affine_map<(d0, d1) -> (0, 0)>
#map1 = affine_map<(d0, d1) -> (0)>
module attributes {stable_mosaic.version = 14 : i64} {
  func.func @k(%arg0: i32, %arg1: i32, %arg2: memref<10240x128xf32, #tpu.memory_space<hbm>>, %arg3: memref<323584xi32, #tpu.memory_space<hbm>>, %arg4: memref<323584xi32, #tpu.memory_space<hbm>>, %arg5: memref<323584x128xf32, #tpu.memory_space<hbm>>, %arg6: memref<323584x128xf32, #tpu.memory_space<hbm>>, %arg7: memref<128xi32, #tpu.memory_space<vmem>>, %arg8: memref<128xi32, #tpu.memory_space<vmem>>, %arg9: memref<128x128xf32, #tpu.memory_space<vmem>>, %arg10: memref<128x128xf32, #tpu.memory_space<vmem>>, %arg11: memref<!tpu.dma_semaphore, #tpu.memory_space<semaphore_mem>>, %arg12: memref<!tpu.dma_semaphore, #tpu.memory_space<semaphore_mem>>) attributes {dimension_semantics = [#tpu.dimension_semantics<core_parallel>, #tpu.dimension_semantics<subcore_parallel>], iteration_bounds = array<i64: 2, 16>, scalar_prefetch = 0 : i64, scratch_operands = 6 : i64, tpu.core_type = #tpu.core_type<sc_vector_subcore>, window_params = [{transform_indices = #map}, {transform_indices = #map1}, {transform_indices = #map1}, {transform_indices = #map}, {transform_indices = #map}]} {
    %eq3A = arith.constant 0 : i32
    %eq3A_0 = arith.cmpi eq, %arg0, %eq3A : i32
    %jit3A = arith.constant 79 : i32
    %jit3A_1 = arith.constant 79 : i32
    %select_n3A = arith.select %eq3A_0, %jit3A, %jit3A_1 : i32
    %eq3A_2 = arith.constant 0 : i32
    %eq3A_3 = arith.cmpi eq, %arg0, %eq3A_2 : i32
    %mul3A = arith.constant 79 : i32
    %mul3A_4 = arith.muli %arg1, %mul3A : i32
    %mul3A_5 = arith.constant 79 : i32
    %mul3A_6 = arith.muli %arg1, %mul3A_5 : i32
    %add3A = arith.constant 1264 : i32
    %add3A_7 = arith.addi %add3A, %mul3A_6 : i32
    %select_n3A_8 = arith.select %eq3A_3, %mul3A_4, %add3A_7 : i32
    %mul3A_9 = arith.constant 128 : i32
    %mul3A_10 = arith.muli %mul3A_9, %select_n3A_8 : i32
    %while3A = arith.constant 0 : i32
    %while3A_11 = arith.constant 0 : i32
    %while3A_12 = arith.subi %select_n3A, %while3A_11 : i32
    %while3A_13 = arith.addi %while3A_11, %while3A_12 : i32
    %while3A_14 = arith.constant 1 : i32
    %while3A_15 = arith.divsi %while3A_12, %while3A_14 : i32
    %while3A_16 = arith.muli %while3A_15, %while3A_14 : i32
    %while3A_17 = arith.addi %while3A_11, %while3A_16 : i32
    %while3A_18 = arith.constant 1 : i32
    scf.for %while3A_20 = %while3A_11 to %while3A_17 step %while3A_18  : i32 {
      %mul3A_21 = arith.constant 128 : i32
      %mul3A_22 = arith.muli %while3A_20, %mul3A_21 : i32
      %add3A_23 = arith.addi %mul3A_10, %mul3A_22 : i32
      "tpu.region"() ({
        %run_scoped3A = tpu.sem_alloc : memref<!tpu.dma_semaphore, #tpu.memory_space<semaphore_mem>>
        %dma_start3A_34 = tpu.memref_slice %arg3[%add3A_23] : memref<323584xi32, #tpu.memory_space<hbm>> -> memref<128xi32, #tpu.memory_space<hbm>>
        %dma_start3A_35 = tpu.memref_slice %arg3[%add3A_23] : memref<323584xi32, #tpu.memory_space<hbm>> -> memref<128xi32, #tpu.memory_space<hbm>>
        tpu.enqueue_dma source(%dma_start3A_35 : memref<128xi32, #tpu.memory_space<hbm>>) target(%arg7 : memref<128xi32, #tpu.memory_space<vmem>>) target_semaphore(%run_scoped3A : memref<!tpu.dma_semaphore, #tpu.memory_space<semaphore_mem>>)
        %dma_wait3A_36 = tpu.memref_slice %arg3[%add3A_23] : memref<323584xi32, #tpu.memory_space<hbm>> -> memref<128xi32, #tpu.memory_space<hbm>>
        %dma_wait3A_37 = tpu.memref_slice %arg3[%add3A_23] : memref<323584xi32, #tpu.memory_space<hbm>> -> memref<128xi32, #tpu.memory_space<hbm>>
        tpu.wait_dma2 semaphore(%run_scoped3A : memref<!tpu.dma_semaphore, #tpu.memory_space<semaphore_mem>>) src(%dma_wait3A_37 : memref<128xi32, #tpu.memory_space<hbm>>) dst(%arg7 : memref<128xi32, #tpu.memory_space<vmem>>)
        tpu.yield
      }) : () -> ()
      "tpu.region"() ({
        %run_scoped3A = tpu.sem_alloc : memref<!tpu.dma_semaphore, #tpu.memory_space<semaphore_mem>>
        %dma_start3A_34 = tpu.memref_slice %arg4[%add3A_23] : memref<323584xi32, #tpu.memory_space<hbm>> -> memref<128xi32, #tpu.memory_space<hbm>>
        %dma_start3A_35 = tpu.memref_slice %arg4[%add3A_23] : memref<323584xi32, #tpu.memory_space<hbm>> -> memref<128xi32, #tpu.memory_space<hbm>>
        tpu.enqueue_dma source(%dma_start3A_35 : memref<128xi32, #tpu.memory_space<hbm>>) target(%arg8 : memref<128xi32, #tpu.memory_space<vmem>>) target_semaphore(%run_scoped3A : memref<!tpu.dma_semaphore, #tpu.memory_space<semaphore_mem>>)
        %dma_wait3A_36 = tpu.memref_slice %arg4[%add3A_23] : memref<323584xi32, #tpu.memory_space<hbm>> -> memref<128xi32, #tpu.memory_space<hbm>>
        %dma_wait3A_37 = tpu.memref_slice %arg4[%add3A_23] : memref<323584xi32, #tpu.memory_space<hbm>> -> memref<128xi32, #tpu.memory_space<hbm>>
        tpu.wait_dma2 semaphore(%run_scoped3A : memref<!tpu.dma_semaphore, #tpu.memory_space<semaphore_mem>>) src(%dma_wait3A_37 : memref<128xi32, #tpu.memory_space<hbm>>) dst(%arg8 : memref<128xi32, #tpu.memory_space<vmem>>)
        tpu.yield
      }) : () -> ()
      %dma_start3A = arith.constant 0 : i32
      %dma_start3A_24 = arith.constant 0 : i32
      %dma_start3A_25 = tpu.memref_slice %arg2[%dma_start3A, %dma_start3A_24] : memref<10240x128xf32, #tpu.memory_space<hbm>> -> memref<10240x128xf32, #tpu.memory_space<hbm>>
      tpu.enqueue_indirect_dma source(%dma_start3A_25 : memref<10240x128xf32, #tpu.memory_space<hbm>>) target(%arg9 : memref<128x128xf32, #tpu.memory_space<vmem>>) offsets(%arg7 : memref<128xi32, #tpu.memory_space<vmem>>) semaphore(%arg11 : memref<!tpu.dma_semaphore, #tpu.memory_space<semaphore_mem>>)
      %dma_start3A_26 = arith.constant 0 : i32
      %dma_start3A_27 = arith.constant 0 : i32
      %dma_start3A_28 = tpu.memref_slice %arg2[%dma_start3A_26, %dma_start3A_27] : memref<10240x128xf32, #tpu.memory_space<hbm>> -> memref<10240x128xf32, #tpu.memory_space<hbm>>
      tpu.enqueue_indirect_dma source(%dma_start3A_28 : memref<10240x128xf32, #tpu.memory_space<hbm>>) target(%arg10 : memref<128x128xf32, #tpu.memory_space<vmem>>) offsets(%arg8 : memref<128xi32, #tpu.memory_space<vmem>>) semaphore(%arg12 : memref<!tpu.dma_semaphore, #tpu.memory_space<semaphore_mem>>)
      %dma_wait3A = arith.constant 0 : i32
      %dma_wait3A_29 = arith.constant 0 : i32
      %dma_wait3A_30 = tpu.memref_slice %arg2[%dma_wait3A, %dma_wait3A_29] : memref<10240x128xf32, #tpu.memory_space<hbm>> -> memref<10240x128xf32, #tpu.memory_space<hbm>>
      tpu.wait_indirect_dma semaphore(%arg11 : memref<!tpu.dma_semaphore, #tpu.memory_space<semaphore_mem>>) src(%dma_wait3A_30 : memref<10240x128xf32, #tpu.memory_space<hbm>>) dst(%arg9 : memref<128x128xf32, #tpu.memory_space<vmem>>)
      %dma_wait3A_31 = arith.constant 0 : i32
      %dma_wait3A_32 = arith.constant 0 : i32
      %dma_wait3A_33 = tpu.memref_slice %arg2[%dma_wait3A_31, %dma_wait3A_32] : memref<10240x128xf32, #tpu.memory_space<hbm>> -> memref<10240x128xf32, #tpu.memory_space<hbm>>
      tpu.wait_indirect_dma semaphore(%arg12 : memref<!tpu.dma_semaphore, #tpu.memory_space<semaphore_mem>>) src(%dma_wait3A_33 : memref<10240x128xf32, #tpu.memory_space<hbm>>) dst(%arg10 : memref<128x128xf32, #tpu.memory_space<vmem>>)
      "tpu.region"() ({
        %run_scoped3A = tpu.sem_alloc : memref<!tpu.dma_semaphore, #tpu.memory_space<semaphore_mem>>
        %dma_start3A_34 = arith.constant 0 : i32
        %dma_start3A_35 = tpu.memref_slice %arg5[%add3A_23, %dma_start3A_34] : memref<323584x128xf32, #tpu.memory_space<hbm>> -> memref<128x128xf32, #tpu.memory_space<hbm>>
        %dma_start3A_36 = arith.constant 0 : i32
        %dma_start3A_37 = tpu.memref_slice %arg5[%add3A_23, %dma_start3A_36] : memref<323584x128xf32, #tpu.memory_space<hbm>> -> memref<128x128xf32, #tpu.memory_space<hbm>>
        tpu.enqueue_dma source(%arg9 : memref<128x128xf32, #tpu.memory_space<vmem>>) target(%dma_start3A_37 : memref<128x128xf32, #tpu.memory_space<hbm>>) target_semaphore(%run_scoped3A : memref<!tpu.dma_semaphore, #tpu.memory_space<semaphore_mem>>)
        %dma_wait3A_38 = arith.constant 0 : i32
        %dma_wait3A_39 = tpu.memref_slice %arg5[%add3A_23, %dma_wait3A_38] : memref<323584x128xf32, #tpu.memory_space<hbm>> -> memref<128x128xf32, #tpu.memory_space<hbm>>
        %dma_wait3A_40 = arith.constant 0 : i32
        %dma_wait3A_41 = tpu.memref_slice %arg5[%add3A_23, %dma_wait3A_40] : memref<323584x128xf32, #tpu.memory_space<hbm>> -> memref<128x128xf32, #tpu.memory_space<hbm>>
        tpu.wait_dma2 semaphore(%run_scoped3A : memref<!tpu.dma_semaphore, #tpu.memory_space<semaphore_mem>>) src(%arg9 : memref<128x128xf32, #tpu.memory_space<vmem>>) dst(%dma_wait3A_41 : memref<128x128xf32, #tpu.memory_space<hbm>>)
        tpu.yield
      }) : () -> ()
      "tpu.region"() ({
        %run_scoped3A = tpu.sem_alloc : memref<!tpu.dma_semaphore, #tpu.memory_space<semaphore_mem>>
        %dma_start3A_34 = arith.constant 0 : i32
        %dma_start3A_35 = tpu.memref_slice %arg6[%add3A_23, %dma_start3A_34] : memref<323584x128xf32, #tpu.memory_space<hbm>> -> memref<128x128xf32, #tpu.memory_space<hbm>>
        %dma_start3A_36 = arith.constant 0 : i32
        %dma_start3A_37 = tpu.memref_slice %arg6[%add3A_23, %dma_start3A_36] : memref<323584x128xf32, #tpu.memory_space<hbm>> -> memref<128x128xf32, #tpu.memory_space<hbm>>
        tpu.enqueue_dma source(%arg10 : memref<128x128xf32, #tpu.memory_space<vmem>>) target(%dma_start3A_37 : memref<128x128xf32, #tpu.memory_space<hbm>>) target_semaphore(%run_scoped3A : memref<!tpu.dma_semaphore, #tpu.memory_space<semaphore_mem>>)
        %dma_wait3A_38 = arith.constant 0 : i32
        %dma_wait3A_39 = tpu.memref_slice %arg6[%add3A_23, %dma_wait3A_38] : memref<323584x128xf32, #tpu.memory_space<hbm>> -> memref<128x128xf32, #tpu.memory_space<hbm>>
        %dma_wait3A_40 = arith.constant 0 : i32
        %dma_wait3A_41 = tpu.memref_slice %arg6[%add3A_23, %dma_wait3A_40] : memref<323584x128xf32, #tpu.memory_space<hbm>> -> memref<128x128xf32, #tpu.memory_space<hbm>>
        tpu.wait_dma2 semaphore(%run_scoped3A : memref<!tpu.dma_semaphore, #tpu.memory_space<semaphore_mem>>) src(%arg10 : memref<128x128xf32, #tpu.memory_space<vmem>>) dst(%dma_wait3A_41 : memref<128x128xf32, #tpu.memory_space<hbm>>)
        tpu.yield
      }) : () -> ()
    }
    %while3A_19 = arith.constant 1 : i32
    scf.for %while3A_20 = %while3A_17 to %while3A_13 step %while3A_19  : i32 {
      %mul3A_21 = arith.constant 128 : i32
      %mul3A_22 = arith.muli %while3A_20, %mul3A_21 : i32
      %add3A_23 = arith.addi %mul3A_10, %mul3A_22 : i32
      "tpu.region"() ({
        %run_scoped3A = tpu.sem_alloc : memref<!tpu.dma_semaphore, #tpu.memory_space<semaphore_mem>>
        %dma_start3A_34 = tpu.memref_slice %arg3[%add3A_23] : memref<323584xi32, #tpu.memory_space<hbm>> -> memref<128xi32, #tpu.memory_space<hbm>>
        %dma_start3A_35 = tpu.memref_slice %arg3[%add3A_23] : memref<323584xi32, #tpu.memory_space<hbm>> -> memref<128xi32, #tpu.memory_space<hbm>>
        tpu.enqueue_dma source(%dma_start3A_35 : memref<128xi32, #tpu.memory_space<hbm>>) target(%arg7 : memref<128xi32, #tpu.memory_space<vmem>>) target_semaphore(%run_scoped3A : memref<!tpu.dma_semaphore, #tpu.memory_space<semaphore_mem>>)
        %dma_wait3A_36 = tpu.memref_slice %arg3[%add3A_23] : memref<323584xi32, #tpu.memory_space<hbm>> -> memref<128xi32, #tpu.memory_space<hbm>>
        %dma_wait3A_37 = tpu.memref_slice %arg3[%add3A_23] : memref<323584xi32, #tpu.memory_space<hbm>> -> memref<128xi32, #tpu.memory_space<hbm>>
        tpu.wait_dma2 semaphore(%run_scoped3A : memref<!tpu.dma_semaphore, #tpu.memory_space<semaphore_mem>>) src(%dma_wait3A_37 : memref<128xi32, #tpu.memory_space<hbm>>) dst(%arg7 : memref<128xi32, #tpu.memory_space<vmem>>)
        tpu.yield
      }) : () -> ()
      "tpu.region"() ({
        %run_scoped3A = tpu.sem_alloc : memref<!tpu.dma_semaphore, #tpu.memory_space<semaphore_mem>>
        %dma_start3A_34 = tpu.memref_slice %arg4[%add3A_23] : memref<323584xi32, #tpu.memory_space<hbm>> -> memref<128xi32, #tpu.memory_space<hbm>>
        %dma_start3A_35 = tpu.memref_slice %arg4[%add3A_23] : memref<323584xi32, #tpu.memory_space<hbm>> -> memref<128xi32, #tpu.memory_space<hbm>>
        tpu.enqueue_dma source(%dma_start3A_35 : memref<128xi32, #tpu.memory_space<hbm>>) target(%arg8 : memref<128xi32, #tpu.memory_space<vmem>>) target_semaphore(%run_scoped3A : memref<!tpu.dma_semaphore, #tpu.memory_space<semaphore_mem>>)
        %dma_wait3A_36 = tpu.memref_slice %arg4[%add3A_23] : memref<323584xi32, #tpu.memory_space<hbm>> -> memref<128xi32, #tpu.memory_space<hbm>>
        %dma_wait3A_37 = tpu.memref_slice %arg4[%add3A_23] : memref<323584xi32, #tpu.memory_space<hbm>> -> memref<128xi32, #tpu.memory_space<hbm>>
        tpu.wait_dma2 semaphore(%run_scoped3A : memref<!tpu.dma_semaphore, #tpu.memory_space<semaphore_mem>>) src(%dma_wait3A_37 : memref<128xi32, #tpu.memory_space<hbm>>) dst(%arg8 : memref<128xi32, #tpu.memory_space<vmem>>)
        tpu.yield
      }) : () -> ()
      %dma_start3A = arith.constant 0 : i32
      %dma_start3A_24 = arith.constant 0 : i32
      %dma_start3A_25 = tpu.memref_slice %arg2[%dma_start3A, %dma_start3A_24] : memref<10240x128xf32, #tpu.memory_space<hbm>> -> memref<10240x128xf32, #tpu.memory_space<hbm>>
      tpu.enqueue_indirect_dma source(%dma_start3A_25 : memref<10240x128xf32, #tpu.memory_space<hbm>>) target(%arg9 : memref<128x128xf32, #tpu.memory_space<vmem>>) offsets(%arg7 : memref<128xi32, #tpu.memory_space<vmem>>) semaphore(%arg11 : memref<!tpu.dma_semaphore, #tpu.memory_space<semaphore_mem>>)
      %dma_start3A_26 = arith.constant 0 : i32
      %dma_start3A_27 = arith.constant 0 : i32
      %dma_start3A_28 = tpu.memref_slice %arg2[%dma_start3A_26, %dma_start3A_27] : memref<10240x128xf32, #tpu.memory_space<hbm>> -> memref<10240x128xf32, #tpu.memory_space<hbm>>
      tpu.enqueue_indirect_dma source(%dma_start3A_28 : memref<10240x128xf32, #tpu.memory_space<hbm>>) target(%arg10 : memref<128x128xf32, #tpu.memory_space<vmem>>) offsets(%arg8 : memref<128xi32, #tpu.memory_space<vmem>>) semaphore(%arg12 : memref<!tpu.dma_semaphore, #tpu.memory_space<semaphore_mem>>)
      %dma_wait3A = arith.constant 0 : i32
      %dma_wait3A_29 = arith.constant 0 : i32
      %dma_wait3A_30 = tpu.memref_slice %arg2[%dma_wait3A, %dma_wait3A_29] : memref<10240x128xf32, #tpu.memory_space<hbm>> -> memref<10240x128xf32, #tpu.memory_space<hbm>>
      tpu.wait_indirect_dma semaphore(%arg11 : memref<!tpu.dma_semaphore, #tpu.memory_space<semaphore_mem>>) src(%dma_wait3A_30 : memref<10240x128xf32, #tpu.memory_space<hbm>>) dst(%arg9 : memref<128x128xf32, #tpu.memory_space<vmem>>)
      %dma_wait3A_31 = arith.constant 0 : i32
      %dma_wait3A_32 = arith.constant 0 : i32
      %dma_wait3A_33 = tpu.memref_slice %arg2[%dma_wait3A_31, %dma_wait3A_32] : memref<10240x128xf32, #tpu.memory_space<hbm>> -> memref<10240x128xf32, #tpu.memory_space<hbm>>
      tpu.wait_indirect_dma semaphore(%arg12 : memref<!tpu.dma_semaphore, #tpu.memory_space<semaphore_mem>>) src(%dma_wait3A_33 : memref<10240x128xf32, #tpu.memory_space<hbm>>) dst(%arg10 : memref<128x128xf32, #tpu.memory_space<vmem>>)
      "tpu.region"() ({
        %run_scoped3A = tpu.sem_alloc : memref<!tpu.dma_semaphore, #tpu.memory_space<semaphore_mem>>
        %dma_start3A_34 = arith.constant 0 : i32
        %dma_start3A_35 = tpu.memref_slice %arg5[%add3A_23, %dma_start3A_34] : memref<323584x128xf32, #tpu.memory_space<hbm>> -> memref<128x128xf32, #tpu.memory_space<hbm>>
        %dma_start3A_36 = arith.constant 0 : i32
        %dma_start3A_37 = tpu.memref_slice %arg5[%add3A_23, %dma_start3A_36] : memref<323584x128xf32, #tpu.memory_space<hbm>> -> memref<128x128xf32, #tpu.memory_space<hbm>>
        tpu.enqueue_dma source(%arg9 : memref<128x128xf32, #tpu.memory_space<vmem>>) target(%dma_start3A_37 : memref<128x128xf32, #tpu.memory_space<hbm>>) target_semaphore(%run_scoped3A : memref<!tpu.dma_semaphore, #tpu.memory_space<semaphore_mem>>)
        %dma_wait3A_38 = arith.constant 0 : i32
        %dma_wait3A_39 = tpu.memref_slice %arg5[%add3A_23, %dma_wait3A_38] : memref<323584x128xf32, #tpu.memory_space<hbm>> -> memref<128x128xf32, #tpu.memory_space<hbm>>
        %dma_wait3A_40 = arith.constant 0 : i32
        %dma_wait3A_41 = tpu.memref_slice %arg5[%add3A_23, %dma_wait3A_40] : memref<323584x128xf32, #tpu.memory_space<hbm>> -> memref<128x128xf32, #tpu.memory_space<hbm>>
        tpu.wait_dma2 semaphore(%run_scoped3A : memref<!tpu.dma_semaphore, #tpu.memory_space<semaphore_mem>>) src(%arg9 : memref<128x128xf32, #tpu.memory_space<vmem>>) dst(%dma_wait3A_41 : memref<128x128xf32, #tpu.memory_space<hbm>>)
        tpu.yield
      }) : () -> ()
      "tpu.region"() ({
        %run_scoped3A = tpu.sem_alloc : memref<!tpu.dma_semaphore, #tpu.memory_space<semaphore_mem>>
        %dma_start3A_34 = arith.constant 0 : i32
        %dma_start3A_35 = tpu.memref_slice %arg6[%add3A_23, %dma_start3A_34] : memref<323584x128xf32, #tpu.memory_space<hbm>> -> memref<128x128xf32, #tpu.memory_space<hbm>>
        %dma_start3A_36 = arith.constant 0 : i32
        %dma_start3A_37 = tpu.memref_slice %arg6[%add3A_23, %dma_start3A_36] : memref<323584x128xf32, #tpu.memory_space<hbm>> -> memref<128x128xf32, #tpu.memory_space<hbm>>
        tpu.enqueue_dma source(%arg10 : memref<128x128xf32, #tpu.memory_space<vmem>>) target(%dma_start3A_37 : memref<128x128xf32, #tpu.memory_space<hbm>>) target_semaphore(%run_scoped3A : memref<!tpu.dma_semaphore, #tpu.memory_space<semaphore_mem>>)
        %dma_wait3A_38 = arith.constant 0 : i32
        %dma_wait3A_39 = tpu.memref_slice %arg6[%add3A_23, %dma_wait3A_38] : memref<323584x128xf32, #tpu.memory_space<hbm>> -> memref<128x128xf32, #tpu.memory_space<hbm>>
        %dma_wait3A_40 = arith.constant 0 : i32
        %dma_wait3A_41 = tpu.memref_slice %arg6[%add3A_23, %dma_wait3A_40] : memref<323584x128xf32, #tpu.memory_space<hbm>> -> memref<128x128xf32, #tpu.memory_space<hbm>>
        tpu.wait_dma2 semaphore(%run_scoped3A : memref<!tpu.dma_semaphore, #tpu.memory_space<semaphore_mem>>) src(%arg10 : memref<128x128xf32, #tpu.memory_space<vmem>>) dst(%dma_wait3A_41 : memref<128x128xf32, #tpu.memory_space<hbm>>)
        tpu.yield
      }) : () -> ()
    }
    return
  }
}

module attributes {stable_mosaic.version = 14 : i64} {
  func.func @_pre_body(%arg0: i32, %arg1: memref<1024x128xf32, #tpu.memory_space<vmem>>, %arg2: memref<128x128xf32, #tpu.memory_space<vmem>>, %arg3: memref<1x128xf32, #tpu.memory_space<vmem>>, %arg4: memref<1024x128xf32, #tpu.memory_space<vmem>>) attributes {dimension_semantics = [#tpu.dimension_semantics<arbitrary>], iteration_bounds = array<i64: 10>, scalar_prefetch = 0 : i64, scratch_operands = 0 : i64, tpu.core_type = #tpu.core_type<tc>, window_params = [{transform_indices = @transform_0, window_bounds = array<i64: 1024, 128>}, {pipeline_mode = #tpu.pipeline_mode<synchronous>, transform_indices = @transform_1, window_bounds = array<i64: 128, 128>}, {pipeline_mode = #tpu.pipeline_mode<synchronous>, transform_indices = @transform_2, window_bounds = array<i64: 1, 128>}, {transform_indices = @transform_3, window_bounds = array<i64: 1024, 128>}]} {
    %get3A = arith.constant 0 : index
    %get3A_0 = arith.constant 0 : index
    %get3A_1 = vector.load %arg1[%get3A, %get3A_0] : memref<1024x128xf32, #tpu.memory_space<vmem>>, vector<1024x128xf32>
    %get3A_2 = arith.constant 0 : index
    %get3A_3 = arith.constant 0 : index
    %get3A_4 = vector.load %arg2[%get3A_2, %get3A_3] : memref<128x128xf32, #tpu.memory_space<vmem>>, vector<128x128xf32>
    %dot_general3A = arith.constant dense<0.000000e+00> : vector<1024x128xf32>
    %dot_general3A_5 = tpu.matmul %get3A_1, %get3A_4, %dot_general3A {dimension_numbers = #tpu.dot_dimension_numbers<[1], [0], [0], [1], [0, 0, 1, 1], [], []>, transpose_lhs_hint = false} : vector<1024x128xf32>, vector<128x128xf32>, vector<1024x128xf32> -> vector<1024x128xf32>
    %get3A_6 = arith.constant 0 : index
    %get3A_7 = arith.constant 0 : index
    %get3A_8 = vector.load %arg3[%get3A_6, %get3A_7] : memref<1x128xf32, #tpu.memory_space<vmem>>, vector<1x128xf32>
    %add3A = vector.broadcast %get3A_8 : vector<1x128xf32> to vector<1024x128xf32>
    %add3A_9 = arith.addf %dot_general3A_5, %add3A : vector<1024x128xf32>
    %swap3A = arith.constant 0 : index
    %swap3A_10 = arith.constant 0 : index
    %swap3A_11 = vector.load %arg4[%swap3A, %swap3A_10] : memref<1024x128xf32, #tpu.memory_space<vmem>>, vector<1024x128xf32>
    tpu.vector_store %arg4[%swap3A, %swap3A_10], %add3A_9 {strides = array<i32>} : memref<1024x128xf32, #tpu.memory_space<vmem>>, vector<1024x128xf32>,
    return
  }
  func.func @transform_0(%arg0: i32) -> (i32, i32) {
    %c0_i32 = arith.constant 0 : i32
    %c0_i32_0 = arith.constant 0 : i32
    return %arg0, %c0_i32 : i32, i32
  }
  func.func @transform_1(%arg0: i32) -> (i32, i32) {
    %c0_i32 = arith.constant 0 : i32
    %c0_i32_0 = arith.constant 0 : i32
    %c0_i32_1 = arith.constant 0 : i32
    return %c0_i32, %c0_i32_0 : i32, i32
  }
  func.func @transform_2(%arg0: i32) -> (i32, i32) {
    %c0_i32 = arith.constant 0 : i32
    %c0_i32_0 = arith.constant 0 : i32
    %c0_i32_1 = arith.constant 0 : i32
    return %c0_i32, %c0_i32_0 : i32, i32
  }
  func.func @transform_3(%arg0: i32) -> (i32, i32) {
    %c0_i32 = arith.constant 0 : i32
    %c0_i32_0 = arith.constant 0 : i32
    return %arg0, %c0_i32 : i32, i32
  }
}

module attributes {stable_mosaic.version = 14 : i64} {
  func.func @_edge_body(%arg0: i32, %arg1: memref<1024x128xf32, #tpu.memory_space<vmem>>, %arg2: memref<1024x128xf32, #tpu.memory_space<vmem>>, %arg3: memref<1024x4xf32, #tpu.memory_space<vmem>>, %arg4: memref<128x128xbf16, #tpu.memory_space<vmem>>, %arg5: memref<128x128xbf16, #tpu.memory_space<vmem>>, %arg6: memref<128x128xbf16, #tpu.memory_space<vmem>>, %arg7: memref<4x128xf32, #tpu.memory_space<vmem>>, %arg8: memref<4x128xf32, #tpu.memory_space<vmem>>, %arg9: memref<128x1xf32, #tpu.memory_space<vmem>>, %arg10: memref<128x128xbf16, #tpu.memory_space<vmem>>, %arg11: memref<1x128xf32, #tpu.memory_space<vmem>>, %arg12: memref<1x128xf32, #tpu.memory_space<vmem>>, %arg13: memref<1x1xf32, #tpu.memory_space<vmem>>, %arg14: memref<1x128xf32, #tpu.memory_space<vmem>>, %arg15: memref<1024x128xf32, #tpu.memory_space<vmem>>, %arg16: memref<1024x4xf32, #tpu.memory_space<vmem>>) attributes {dimension_semantics = [#tpu.dimension_semantics<arbitrary>], iteration_bounds = array<i64: 316>, scalar_prefetch = 0 : i64, scratch_operands = 0 : i64, tpu.core_type = #tpu.core_type<tc>, window_params = [{transform_indices = @transform_0, window_bounds = array<i64: 1024, 128>}, {transform_indices = @transform_1, window_bounds = array<i64: 1024, 128>}, {transform_indices = @transform_2, window_bounds = array<i64: 1024, 4>}, {pipeline_mode = #tpu.pipeline_mode<synchronous>, transform_indices = @transform_3, window_bounds = array<i64: 128, 128>}, {pipeline_mode = #tpu.pipeline_mode<synchronous>, transform_indices = @transform_4, window_bounds = array<i64: 128, 128>}, {pipeline_mode = #tpu.pipeline_mode<synchronous>, transform_indices = @transform_5, window_bounds = array<i64: 128, 128>}, {pipeline_mode = #tpu.pipeline_mode<synchronous>, transform_indices = @transform_6, window_bounds = array<i64: 4, 128>}, {pipeline_mode = #tpu.pipeline_mode<synchronous>, transform_indices = @transform_7, window_bounds = array<i64: 4, 128>}, {pipeline_mode = #tpu.pipeline_mode<synchronous>, transform_indices = @transform_8, window_bounds = array<i64: 128, 1>}, {pipeline_mode = #tpu.pipeline_mode<synchronous>, transform_indices = @transform_9, window_bounds = array<i64: 128, 128>}, {pipeline_mode = #tpu.pipeline_mode<synchronous>, transform_indices = @transform_10, window_bounds = array<i64: 1, 128>}, {pipeline_mode = #tpu.pipeline_mode<synchronous>, transform_indices = @transform_11, window_bounds = array<i64: 1, 128>}, {pipeline_mode = #tpu.pipeline_mode<synchronous>, transform_indices = @transform_12, window_bounds = array<i64: 1, 1>}, {pipeline_mode = #tpu.pipeline_mode<synchronous>, transform_indices = @transform_13, window_bounds = array<i64: 1, 128>}, {transform_indices = @transform_14, window_bounds = array<i64: 1024, 128>}, {transform_indices = @transform_15, window_bounds = array<i64: 1024, 4>}]} {
    %get3A = arith.constant 0 : index
    %get3A_0 = arith.constant 0 : index
    %get3A_1 = vector.load %arg1[%get3A, %get3A_0] : memref<1024x128xf32, #tpu.memory_space<vmem>>, vector<1024x128xf32>
    %get3A_2 = arith.constant 0 : index
    %get3A_3 = arith.constant 0 : index
    %get3A_4 = vector.load %arg2[%get3A_2, %get3A_3] : memref<1024x128xf32, #tpu.memory_space<vmem>>, vector<1024x128xf32>
    %sub3A = arith.subf %get3A_1, %get3A_4 : vector<1024x128xf32>
    %mul3A = arith.mulf %sub3A, %sub3A : vector<1024x128xf32>
    %reduce_sum3A = arith.constant dense<0.000000e+00> : vector<1024xf32>
    %reduce_sum3A_5 = vector.multi_reduction <add>, %mul3A, %reduce_sum3A [1] : vector<1024x128xf32> to vector<1024xf32>
    %broadcast_in_dim3A = vector.shape_cast %reduce_sum3A_5 : vector<1024xf32> to vector<1024x1xf32>
    %add3A = arith.constant 9.99999996E-13 : f32
    %add3A_6 = vector.broadcast %add3A : f32 to vector<1024x1xf32>
    %add3A_7 = arith.addf %broadcast_in_dim3A, %add3A_6 : vector<1024x1xf32>
    %sqrt3A = math.sqrt %add3A_7 : vector<1024x1xf32>
    %get3A_8 = arith.constant 0 : index
    %get3A_9 = arith.constant 0 : index
    %get3A_10 = vector.load %arg3[%get3A_8, %get3A_9] : memref<1024x4xf32, #tpu.memory_space<vmem>>, vector<1024x4xf32>
    %slice3A = vector.extract_strided_slice %get3A_10 {offsets = [0, 3], sizes = [1024, 1], strides = [1, 1]} : vector<1024x4xf32> to vector<1024x1xf32>
    %slice3A_11 = vector.extract_strided_slice %get3A_10 {offsets = [0, 0], sizes = [1024, 3], strides = [1, 1]} : vector<1024x4xf32> to vector<1024x3xf32>
    %concatenate3A = tpu.concatenate %slice3A_11, %sqrt3A in 1 : vector<1024x3xf32>, vector<1024x1xf32> -> vector<1024x4xf32>
    %convert_element_type3A = arith.truncf %get3A_1 : vector<1024x128xf32> to vector<1024x128xbf16>
    %get3A_12 = arith.constant 0 : index
    %get3A_13 = arith.constant 0 : index
    %get3A_14 = vector.load %arg4[%get3A_12, %get3A_13] : memref<128x128xbf16, #tpu.memory_space<vmem>>, vector<128x128xbf16>
    %dot_general3A = arith.constant dense<0.000000e+00> : vector<1024x128xf32>
    %dot_general3A_15 = tpu.matmul %convert_element_type3A, %get3A_14, %dot_general3A {dimension_numbers = #tpu.dot_dimension_numbers<[1], [0], [0], [1], [0, 0, 1, 1], [], []>, transpose_lhs_hint = false} : vector<1024x128xbf16>, vector<128x128xbf16>, vector<1024x128xf32> -> vector<1024x128xf32>
    %convert_element_type3A_16 = arith.truncf %get3A_4 : vector<1024x128xf32> to vector<1024x128xbf16>
    %get3A_17 = arith.constant 0 : index
    %get3A_18 = arith.constant 0 : index
    %get3A_19 = vector.load %arg5[%get3A_17, %get3A_18] : memref<128x128xbf16, #tpu.memory_space<vmem>>, vector<128x128xbf16>
    %dot_general3A_20 = arith.constant dense<0.000000e+00> : vector<1024x128xf32>
    %dot_general3A_21 = tpu.matmul %convert_element_type3A_16, %get3A_19, %dot_general3A_20 {dimension_numbers = #tpu.dot_dimension_numbers<[1], [0], [0], [1], [0, 0, 1, 1], [], []>, transpose_lhs_hint = false} : vector<1024x128xbf16>, vector<128x128xbf16>, vector<1024x128xf32> -> vector<1024x128xf32>
    %add3A_22 = arith.addf %dot_general3A_15, %dot_general3A_21 : vector<1024x128xf32>
    %get3A_23 = arith.constant 0 : index
    %get3A_24 = arith.constant 0 : index
    %get3A_25 = vector.load %arg7[%get3A_23, %get3A_24] : memref<4x128xf32, #tpu.memory_space<vmem>>, vector<4x128xf32>
    %dot_general3A_26 = arith.constant dense<0.000000e+00> : vector<1024x128xf32>
    %dot_general3A_27 = tpu.matmul %concatenate3A, %get3A_25, %dot_general3A_26 {dimension_numbers = #tpu.dot_dimension_numbers<[1], [0], [0], [1], [0, 0, 1, 1], [], []>, transpose_lhs_hint = false} : vector<1024x4xf32>, vector<4x128xf32>, vector<1024x128xf32> -> vector<1024x128xf32>
    %add3A_28 = arith.addf %add3A_22, %dot_general3A_27 : vector<1024x128xf32>
    %get3A_29 = arith.constant 0 : index
    %get3A_30 = arith.constant 0 : index
    %get3A_31 = vector.load %arg11[%get3A_29, %get3A_30] : memref<1x128xf32, #tpu.memory_space<vmem>>, vector<1x128xf32>
    %add3A_32 = vector.broadcast %get3A_31 : vector<1x128xf32> to vector<1024x128xf32>
    %add3A_33 = arith.addf %add3A_28, %add3A_32 : vector<1024x128xf32>
    %logistic3A = arith.negf %add3A_33 : vector<1024x128xf32>
    %logistic3A_34 = math.exp %logistic3A : vector<1024x128xf32>
    %logistic3A_35 = arith.constant 1.000000e+00 : f32
    %logistic3A_36 = vector.broadcast %logistic3A_35 : f32 to vector<1024x128xf32>
    %logistic3A_37 = arith.addf %logistic3A_36, %logistic3A_34 : vector<1024x128xf32>
    %logistic3A_38 = arith.divf %logistic3A_36, %logistic3A_37 : vector<1024x128xf32>
    %mul3A_39 = arith.mulf %add3A_33, %logistic3A_38 : vector<1024x128xf32>
    %get3A_40 = arith.constant 0 : index
    %get3A_41 = arith.constant 0 : index
    %get3A_42 = vector.load %arg9[%get3A_40, %get3A_41] : memref<128x1xf32, #tpu.memory_space<vmem>>, vector<128x1xf32>
    %dot_general3A_43 = arith.constant dense<0.000000e+00> : vector<1024x1xf32>
    %dot_general3A_44 = tpu.matmul %mul3A_39, %get3A_42, %dot_general3A_43 {dimension_numbers = #tpu.dot_dimension_numbers<[1], [0], [0], [1], [0, 0, 1, 1], [], []>, transpose_lhs_hint = false} : vector<1024x128xf32>, vector<128x1xf32>, vector<1024x1xf32> -> vector<1024x1xf32>
    %get3A_45 = arith.constant 0 : index
    %get3A_46 = arith.constant 0 : index
    %get3A_47 = vector.load %arg13[%get3A_45, %get3A_46] : memref<1x1xf32, #tpu.memory_space<vmem>>, vector<1x1xf32>
    %add3A_48 = vector.broadcast %get3A_47 : vector<1x1xf32> to vector<1024x1xf32>
    %add3A_49 = arith.addf %dot_general3A_44, %add3A_48 : vector<1024x1xf32>
    %logistic3A_50 = arith.negf %add3A_49 : vector<1024x1xf32>
    %logistic3A_51 = math.exp %logistic3A_50 : vector<1024x1xf32>
    %logistic3A_52 = arith.constant 1.000000e+00 : f32
    %logistic3A_53 = vector.broadcast %logistic3A_52 : f32 to vector<1024x1xf32>
    %logistic3A_54 = arith.addf %logistic3A_53, %logistic3A_51 : vector<1024x1xf32>
    %logistic3A_55 = arith.divf %logistic3A_53, %logistic3A_54 : vector<1024x1xf32>
    %mul3A_56 = arith.mulf %logistic3A_55, %slice3A : vector<1024x1xf32>
    %sub3A_57 = arith.subf %get3A_4, %get3A_1 : vector<1024x128xf32>
    %convert_element_type3A_58 = arith.truncf %sub3A_57 : vector<1024x128xf32> to vector<1024x128xbf16>
    %get3A_59 = arith.constant 0 : index
    %get3A_60 = arith.constant 0 : index
    %get3A_61 = vector.load %arg6[%get3A_59, %get3A_60] : memref<128x128xbf16, #tpu.memory_space<vmem>>, vector<128x128xbf16>
    %dot_general3A_62 = arith.constant dense<0.000000e+00> : vector<1024x128xf32>
    %dot_general3A_63 = tpu.matmul %convert_element_type3A_58, %get3A_61, %dot_general3A_62 {dimension_numbers = #tpu.dot_dimension_numbers<[1], [0], [0], [1], [0, 0, 1, 1], [], []>, transpose_lhs_hint = false} : vector<1024x128xbf16>, vector<128x128xbf16>, vector<1024x128xf32> -> vector<1024x128xf32>
    %get3A_64 = arith.constant 0 : index
    %get3A_65 = arith.constant 0 : index
    %get3A_66 = vector.load %arg8[%get3A_64, %get3A_65] : memref<4x128xf32, #tpu.memory_space<vmem>>, vector<4x128xf32>
    %dot_general3A_67 = arith.constant dense<0.000000e+00> : vector<1024x128xf32>
    %dot_general3A_68 = tpu.matmul %concatenate3A, %get3A_66, %dot_general3A_67 {dimension_numbers = #tpu.dot_dimension_numbers<[1], [0], [0], [1], [0, 0, 1, 1], [], []>, transpose_lhs_hint = false} : vector<1024x4xf32>, vector<4x128xf32>, vector<1024x128xf32> -> vector<1024x128xf32>
    %add3A_69 = arith.addf %dot_general3A_63, %dot_general3A_68 : vector<1024x128xf32>
    %get3A_70 = arith.constant 0 : index
    %get3A_71 = arith.constant 0 : index
    %get3A_72 = vector.load %arg12[%get3A_70, %get3A_71] : memref<1x128xf32, #tpu.memory_space<vmem>>, vector<1x128xf32>
    %add3A_73 = vector.broadcast %get3A_72 : vector<1x128xf32> to vector<1024x128xf32>
    %add3A_74 = arith.addf %add3A_69, %add3A_73 : vector<1024x128xf32>
    %logistic3A_75 = arith.negf %add3A_74 : vector<1024x128xf32>
    %logistic3A_76 = math.exp %logistic3A_75 : vector<1024x128xf32>
    %logistic3A_77 = arith.constant 1.000000e+00 : f32
    %logistic3A_78 = vector.broadcast %logistic3A_77 : f32 to vector<1024x128xf32>
    %logistic3A_79 = arith.addf %logistic3A_78, %logistic3A_76 : vector<1024x128xf32>
    %logistic3A_80 = arith.divf %logistic3A_78, %logistic3A_79 : vector<1024x128xf32>
    %mul3A_81 = arith.mulf %add3A_74, %logistic3A_80 : vector<1024x128xf32>
    %convert_element_type3A_82 = arith.truncf %mul3A_81 : vector<1024x128xf32> to vector<1024x128xbf16>
    %get3A_83 = arith.constant 0 : index
    %get3A_84 = arith.constant 0 : index
    %get3A_85 = vector.load %arg10[%get3A_83, %get3A_84] : memref<128x128xbf16, #tpu.memory_space<vmem>>, vector<128x128xbf16>
    %dot_general3A_86 = arith.constant dense<0.000000e+00> : vector<1024x128xf32>
    %dot_general3A_87 = tpu.matmul %convert_element_type3A_82, %get3A_85, %dot_general3A_86 {dimension_numbers = #tpu.dot_dimension_numbers<[1], [0], [0], [1], [0, 0, 1, 1], [], []>, transpose_lhs_hint = false} : vector<1024x128xbf16>, vector<128x128xbf16>, vector<1024x128xf32> -> vector<1024x128xf32>
    %get3A_88 = arith.constant 0 : index
    %get3A_89 = arith.constant 0 : index
    %get3A_90 = vector.load %arg14[%get3A_88, %get3A_89] : memref<1x128xf32, #tpu.memory_space<vmem>>, vector<1x128xf32>
    %add3A_91 = vector.broadcast %get3A_90 : vector<1x128xf32> to vector<1024x128xf32>
    %add3A_92 = arith.addf %dot_general3A_87, %add3A_91 : vector<1024x128xf32>
    %mul3A_93 = vector.broadcast %mul3A_56 : vector<1024x1xf32> to vector<1024x128xf32>
    %mul3A_94 = arith.mulf %add3A_92, %mul3A_93 : vector<1024x128xf32>
    %swap3A = arith.constant 0 : index
    %swap3A_95 = arith.constant 0 : index
    %swap3A_96 = vector.load %arg15[%swap3A, %swap3A_95] : memref<1024x128xf32, #tpu.memory_space<vmem>>, vector<1024x128xf32>
    tpu.vector_store %arg15[%swap3A, %swap3A_95], %mul3A_94 {strides = array<i32>} : memref<1024x128xf32, #tpu.memory_space<vmem>>, vector<1024x128xf32>,
    %swap3A_97 = arith.constant 0 : index
    %swap3A_98 = arith.constant 0 : index
    %swap3A_99 = vector.load %arg16[%swap3A_97, %swap3A_98] : memref<1024x4xf32, #tpu.memory_space<vmem>>, vector<1024x4xf32>
    tpu.vector_store %arg16[%swap3A_97, %swap3A_98], %concatenate3A {strides = array<i32>} : memref<1024x4xf32, #tpu.memory_space<vmem>>, vector<1024x4xf32>,
    return
  }
  func.func @transform_0(%arg0: i32) -> (i32, i32) {
    %c0_i32 = arith.constant 0 : i32
    %c0_i32_0 = arith.constant 0 : i32
    return %arg0, %c0_i32 : i32, i32
  }
  func.func @transform_1(%arg0: i32) -> (i32, i32) {
    %c0_i32 = arith.constant 0 : i32
    %c0_i32_0 = arith.constant 0 : i32
    return %arg0, %c0_i32 : i32, i32
  }
  func.func @transform_2(%arg0: i32) -> (i32, i32) {
    %c0_i32 = arith.constant 0 : i32
    %c0_i32_0 = arith.constant 0 : i32
    return %arg0, %c0_i32 : i32, i32
  }
  func.func @transform_3(%arg0: i32) -> (i32, i32) {
    %c0_i32 = arith.constant 0 : i32
    %c0_i32_0 = arith.constant 0 : i32
    %c0_i32_1 = arith.constant 0 : i32
    return %c0_i32, %c0_i32_0 : i32, i32
  }
  func.func @transform_4(%arg0: i32) -> (i32, i32) {
    %c0_i32 = arith.constant 0 : i32
    %c0_i32_0 = arith.constant 0 : i32
    %c0_i32_1 = arith.constant 0 : i32
    return %c0_i32, %c0_i32_0 : i32, i32
  }
  func.func @transform_5(%arg0: i32) -> (i32, i32) {
    %c0_i32 = arith.constant 0 : i32
    %c0_i32_0 = arith.constant 0 : i32
    %c0_i32_1 = arith.constant 0 : i32
    return %c0_i32, %c0_i32_0 : i32, i32
  }
  func.func @transform_6(%arg0: i32) -> (i32, i32) {
    %c0_i32 = arith.constant 0 : i32
    %c0_i32_0 = arith.constant 0 : i32
    %c0_i32_1 = arith.constant 0 : i32
    return %c0_i32, %c0_i32_0 : i32, i32
  }
  func.func @transform_7(%arg0: i32) -> (i32, i32) {
    %c0_i32 = arith.constant 0 : i32
    %c0_i32_0 = arith.constant 0 : i32
    %c0_i32_1 = arith.constant 0 : i32
    return %c0_i32, %c0_i32_0 : i32, i32
  }
  func.func @transform_8(%arg0: i32) -> (i32, i32) {
    %c0_i32 = arith.constant 0 : i32
    %c0_i32_0 = arith.constant 0 : i32
    %c0_i32_1 = arith.constant 0 : i32
    return %c0_i32, %c0_i32_0 : i32, i32
  }
  func.func @transform_9(%arg0: i32) -> (i32, i32) {
    %c0_i32 = arith.constant 0 : i32
    %c0_i32_0 = arith.constant 0 : i32
    %c0_i32_1 = arith.constant 0 : i32
    return %c0_i32, %c0_i32_0 : i32, i32
  }
  func.func @transform_10(%arg0: i32) -> (i32, i32) {
    %c0_i32 = arith.constant 0 : i32
    %c0_i32_0 = arith.constant 0 : i32
    %c0_i32_1 = arith.constant 0 : i32
    return %c0_i32, %c0_i32_0 : i32, i32
  }
  func.func @transform_11(%arg0: i32) -> (i32, i32) {
    %c0_i32 = arith.constant 0 : i32
    %c0_i32_0 = arith.constant 0 : i32
    %c0_i32_1 = arith.constant 0 : i32
    return %c0_i32, %c0_i32_0 : i32, i32
  }
  func.func @transform_12(%arg0: i32) -> (i32, i32) {
    %c0_i32 = arith.constant 0 : i32
    %c0_i32_0 = arith.constant 0 : i32
    %c0_i32_1 = arith.constant 0 : i32
    return %c0_i32, %c0_i32_0 : i32, i32
  }
  func.func @transform_13(%arg0: i32) -> (i32, i32) {
    %c0_i32 = arith.constant 0 : i32
    %c0_i32_0 = arith.constant 0 : i32
    %c0_i32_1 = arith.constant 0 : i32
    return %c0_i32, %c0_i32_0 : i32, i32
  }
  func.func @transform_14(%arg0: i32) -> (i32, i32) {
    %c0_i32 = arith.constant 0 : i32
    %c0_i32_0 = arith.constant 0 : i32
    return %arg0, %c0_i32 : i32, i32
  }
  func.func @transform_15(%arg0: i32) -> (i32, i32) {
    %c0_i32 = arith.constant 0 : i32
    %c0_i32_0 = arith.constant 0 : i32
    return %arg0, %c0_i32 : i32, i32
  }
}

module attributes {stable_mosaic.version = 14 : i64} {
  func.func @_post_body(%arg0: i32, %arg1: memref<2x1024x128xf32, #tpu.memory_space<vmem>>, %arg2: memref<1024x128xf32, #tpu.memory_space<vmem>>, %arg3: memref<128x128xf32, #tpu.memory_space<vmem>>, %arg4: memref<1x128xf32, #tpu.memory_space<vmem>>, %arg5: memref<128x128xf32, #tpu.memory_space<vmem>>, %arg6: memref<1x128xf32, #tpu.memory_space<vmem>>, %arg7: memref<1x128xf32, #tpu.memory_space<vmem>>, %arg8: memref<1x128xf32, #tpu.memory_space<vmem>>, %arg9: memref<1024x128xf32, #tpu.memory_space<vmem>>) attributes {dimension_semantics = [#tpu.dimension_semantics<arbitrary>], iteration_bounds = array<i64: 10>, scalar_prefetch = 0 : i64, scratch_operands = 0 : i64, tpu.core_type = #tpu.core_type<tc>, window_params = [{transform_indices = @transform_0, window_bounds = array<i64: 2, 1024, 128>}, {transform_indices = @transform_1, window_bounds = array<i64: 1024, 128>}, {pipeline_mode = #tpu.pipeline_mode<synchronous>, transform_indices = @transform_2, window_bounds = array<i64: 128, 128>}, {pipeline_mode = #tpu.pipeline_mode<synchronous>, transform_indices = @transform_3, window_bounds = array<i64: 1, 128>}, {pipeline_mode = #tpu.pipeline_mode<synchronous>, transform_indices = @transform_4, window_bounds = array<i64: 128, 128>}, {pipeline_mode = #tpu.pipeline_mode<synchronous>, transform_indices = @transform_5, window_bounds = array<i64: 1, 128>}, {pipeline_mode = #tpu.pipeline_mode<synchronous>, transform_indices = @transform_6, window_bounds = array<i64: 1, 128>}, {pipeline_mode = #tpu.pipeline_mode<synchronous>, transform_indices = @transform_7, window_bounds = array<i64: 1, 128>}, {transform_indices = @transform_8, window_bounds = array<i64: 1024, 128>}]} {
    %get3A = arith.constant 0 : index
    %get3A_0 = arith.constant 0 : index
    %get3A_1 = arith.constant 0 : index
    %get3A_2 = vector.load %arg1[%get3A, %get3A_0, %get3A_1] : memref<2x1024x128xf32, #tpu.memory_space<vmem>>, vector<1x1024x128xf32>
    %get3A_3 = vector.shape_cast %get3A_2 : vector<1x1024x128xf32> to vector<1024x128xf32>
    %get3A_4 = arith.constant 1 : index
    %get3A_5 = arith.constant 0 : index
    %get3A_6 = arith.constant 0 : index
    %get3A_7 = vector.load %arg1[%get3A_4, %get3A_5, %get3A_6] : memref<2x1024x128xf32, #tpu.memory_space<vmem>>, vector<1x1024x128xf32>
    %get3A_8 = vector.shape_cast %get3A_7 : vector<1x1024x128xf32> to vector<1024x128xf32>
    %add3A = arith.addf %get3A_3, %get3A_8 : vector<1024x128xf32>
    %get3A_9 = arith.constant 0 : index
    %get3A_10 = arith.constant 0 : index
    %get3A_11 = vector.load %arg3[%get3A_9, %get3A_10] : memref<128x128xf32, #tpu.memory_space<vmem>>, vector<128x128xf32>
    %dot_general3A = arith.constant dense<0.000000e+00> : vector<1024x128xf32>
    %dot_general3A_12 = tpu.matmul %add3A, %get3A_11, %dot_general3A {dimension_numbers = #tpu.dot_dimension_numbers<[1], [0], [0], [1], [0, 0, 1, 1], [], []>, transpose_lhs_hint = false} : vector<1024x128xf32>, vector<128x128xf32>, vector<1024x128xf32> -> vector<1024x128xf32>
    %get3A_13 = arith.constant 0 : index
    %get3A_14 = arith.constant 0 : index
    %get3A_15 = vector.load %arg4[%get3A_13, %get3A_14] : memref<1x128xf32, #tpu.memory_space<vmem>>, vector<1x128xf32>
    %add3A_16 = vector.broadcast %get3A_15 : vector<1x128xf32> to vector<1024x128xf32>
    %add3A_17 = arith.addf %dot_general3A_12, %add3A_16 : vector<1024x128xf32>
    %logistic3A = arith.negf %add3A_17 : vector<1024x128xf32>
    %logistic3A_18 = math.exp %logistic3A : vector<1024x128xf32>
    %logistic3A_19 = arith.constant 1.000000e+00 : f32
    %logistic3A_20 = vector.broadcast %logistic3A_19 : f32 to vector<1024x128xf32>
    %logistic3A_21 = arith.addf %logistic3A_20, %logistic3A_18 : vector<1024x128xf32>
    %logistic3A_22 = arith.divf %logistic3A_20, %logistic3A_21 : vector<1024x128xf32>
    %mul3A = arith.mulf %add3A_17, %logistic3A_22 : vector<1024x128xf32>
    %get3A_23 = arith.constant 0 : index
    %get3A_24 = arith.constant 0 : index
    %get3A_25 = vector.load %arg5[%get3A_23, %get3A_24] : memref<128x128xf32, #tpu.memory_space<vmem>>, vector<128x128xf32>
    %dot_general3A_26 = arith.constant dense<0.000000e+00> : vector<1024x128xf32>
    %dot_general3A_27 = tpu.matmul %mul3A, %get3A_25, %dot_general3A_26 {dimension_numbers = #tpu.dot_dimension_numbers<[1], [0], [0], [1], [0, 0, 1, 1], [], []>, transpose_lhs_hint = false} : vector<1024x128xf32>, vector<128x128xf32>, vector<1024x128xf32> -> vector<1024x128xf32>
    %get3A_28 = arith.constant 0 : index
    %get3A_29 = arith.constant 0 : index
    %get3A_30 = vector.load %arg6[%get3A_28, %get3A_29] : memref<1x128xf32, #tpu.memory_space<vmem>>, vector<1x128xf32>
    %add3A_31 = vector.broadcast %get3A_30 : vector<1x128xf32> to vector<1024x128xf32>
    %add3A_32 = arith.addf %dot_general3A_27, %add3A_31 : vector<1024x128xf32>
    %get3A_33 = arith.constant 0 : index
    %get3A_34 = arith.constant 0 : index
    %get3A_35 = vector.load %arg2[%get3A_33, %get3A_34] : memref<1024x128xf32, #tpu.memory_space<vmem>>, vector<1024x128xf32>
    %add3A_36 = arith.addf %get3A_35, %add3A_32 : vector<1024x128xf32>
    %reduce_sum3A = arith.constant dense<0.000000e+00> : vector<1024xf32>
    %reduce_sum3A_37 = vector.multi_reduction <add>, %add3A_36, %reduce_sum3A [1] : vector<1024x128xf32> to vector<1024xf32>
    %broadcast_in_dim3A = vector.shape_cast %reduce_sum3A_37 : vector<1024xf32> to vector<1024x1xf32>
    %div3A = arith.constant 1.280000e+02 : f32
    %div3A_38 = vector.broadcast %div3A : f32 to vector<1024x1xf32>
    %div3A_39 = arith.divf %broadcast_in_dim3A, %div3A_38 : vector<1024x1xf32>
    %sub3A = vector.broadcast %div3A_39 : vector<1024x1xf32> to vector<1024x128xf32>
    %sub3A_40 = arith.subf %add3A_36, %sub3A : vector<1024x128xf32>
    %mul3A_41 = arith.mulf %sub3A_40, %sub3A_40 : vector<1024x128xf32>
    %reduce_sum3A_42 = arith.constant dense<0.000000e+00> : vector<1024xf32>
    %reduce_sum3A_43 = vector.multi_reduction <add>, %mul3A_41, %reduce_sum3A_42 [1] : vector<1024x128xf32> to vector<1024xf32>
    %broadcast_in_dim3A_44 = vector.shape_cast %reduce_sum3A_43 : vector<1024xf32> to vector<1024x1xf32>
    %div3A_45 = arith.constant 1.280000e+02 : f32
    %div3A_46 = vector.broadcast %div3A_45 : f32 to vector<1024x1xf32>
    %div3A_47 = arith.divf %broadcast_in_dim3A_44, %div3A_46 : vector<1024x1xf32>
    %add3A_48 = arith.constant 9.99999974E-6 : f32
    %add3A_49 = vector.broadcast %add3A_48 : f32 to vector<1024x1xf32>
    %add3A_50 = arith.addf %div3A_47, %add3A_49 : vector<1024x1xf32>
    %sqrt3A = math.sqrt %add3A_50 : vector<1024x1xf32>
    %div3A_51 = vector.broadcast %sqrt3A : vector<1024x1xf32> to vector<1024x128xf32>
    %div3A_52 = arith.divf %sub3A_40, %div3A_51 : vector<1024x128xf32>
    %get3A_53 = arith.constant 0 : index
    %get3A_54 = arith.constant 0 : index
    %get3A_55 = vector.load %arg7[%get3A_53, %get3A_54] : memref<1x128xf32, #tpu.memory_space<vmem>>, vector<1x128xf32>
    %mul3A_56 = vector.broadcast %get3A_55 : vector<1x128xf32> to vector<1024x128xf32>
    %mul3A_57 = arith.mulf %div3A_52, %mul3A_56 : vector<1024x128xf32>
    %get3A_58 = arith.constant 0 : index
    %get3A_59 = arith.constant 0 : index
    %get3A_60 = vector.load %arg8[%get3A_58, %get3A_59] : memref<1x128xf32, #tpu.memory_space<vmem>>, vector<1x128xf32>
    %add3A_61 = vector.broadcast %get3A_60 : vector<1x128xf32> to vector<1024x128xf32>
    %add3A_62 = arith.addf %mul3A_57, %add3A_61 : vector<1024x128xf32>
    %logistic3A_63 = arith.negf %add3A_62 : vector<1024x128xf32>
    %logistic3A_64 = math.exp %logistic3A_63 : vector<1024x128xf32>
    %logistic3A_65 = arith.constant 1.000000e+00 : f32
    %logistic3A_66 = vector.broadcast %logistic3A_65 : f32 to vector<1024x128xf32>
    %logistic3A_67 = arith.addf %logistic3A_66, %logistic3A_64 : vector<1024x128xf32>
    %logistic3A_68 = arith.divf %logistic3A_66, %logistic3A_67 : vector<1024x128xf32>
    %mul3A_69 = arith.mulf %add3A_62, %logistic3A_68 : vector<1024x128xf32>
    %swap3A = arith.constant 0 : index
    %swap3A_70 = arith.constant 0 : index
    %swap3A_71 = vector.load %arg9[%swap3A, %swap3A_70] : memref<1024x128xf32, #tpu.memory_space<vmem>>, vector<1024x128xf32>
    tpu.vector_store %arg9[%swap3A, %swap3A_70], %mul3A_69 {strides = array<i32>} : memref<1024x128xf32, #tpu.memory_space<vmem>>, vector<1024x128xf32>,
    return
  }
  func.func @transform_0(%arg0: i32) -> (i32, i32, i32) {
    %c0_i32 = arith.constant 0 : i32
    %c0_i32_0 = arith.constant 0 : i32
    %c0_i32_1 = arith.constant 0 : i32
    return %c0_i32, %arg0, %c0_i32_0 : i32, i32, i32
  }
  func.func @transform_1(%arg0: i32) -> (i32, i32) {
    %c0_i32 = arith.constant 0 : i32
    %c0_i32_0 = arith.constant 0 : i32
    return %arg0, %c0_i32 : i32, i32
  }
  func.func @transform_2(%arg0: i32) -> (i32, i32) {
    %c0_i32 = arith.constant 0 : i32
    %c0_i32_0 = arith.constant 0 : i32
    %c0_i32_1 = arith.constant 0 : i32
    return %c0_i32, %c0_i32_0 : i32, i32
  }
  func.func @transform_3(%arg0: i32) -> (i32, i32) {
    %c0_i32 = arith.constant 0 : i32
    %c0_i32_0 = arith.constant 0 : i32
    %c0_i32_1 = arith.constant 0 : i32
    return %c0_i32, %c0_i32_0 : i32, i32
  }
  func.func @transform_4(%arg0: i32) -> (i32, i32) {
    %c0_i32 = arith.constant 0 : i32
    %c0_i32_0 = arith.constant 0 : i32
    %c0_i32_1 = arith.constant 0 : i32
    return %c0_i32, %c0_i32_0 : i32, i32
  }
  func.func @transform_5(%arg0: i32) -> (i32, i32) {
    %c0_i32 = arith.constant 0 : i32
    %c0_i32_0 = arith.constant 0 : i32
    %c0_i32_1 = arith.constant 0 : i32
    return %c0_i32, %c0_i32_0 : i32, i32
  }
  func.func @transform_6(%arg0: i32) -> (i32, i32) {
    %c0_i32 = arith.constant 0 : i32
    %c0_i32_0 = arith.constant 0 : i32
    %c0_i32_1 = arith.constant 0 : i32
    return %c0_i32, %c0_i32_0 : i32, i32
  }
  func.func @transform_7(%arg0: i32) -> (i32, i32) {
    %c0_i32 = arith.constant 0 : i32
    %c0_i32_0 = arith.constant 0 : i32
    %c0_i32_1 = arith.constant 0 : i32
    return %c0_i32, %c0_i32_0 : i32, i32
  }
  func.func @transform_8(%arg0: i32) -> (i32, i32) {
    %c0_i32 = arith.constant 0 : i32
    %c0_i32_0 = arith.constant 0 : i32
    return %arg0, %c0_i32 : i32, i32
  }
}

</mosaic_0001>

<sc_bundles>
// kernel: kernel.10.cloned.1.call-start
scs
__scs_entry_jumppad:
0x0: {  	(pc) =	sbr.rel $0x88, $3  }
0x1: {  	(tag) =	ssettag $0x0;
	lr =	simm.s32 $0x1  }
0x2: {  	[smem:$0x3F8C] =	sst lr;
	_ =	strace $0xD0000000  }
0x3: {  	_ = 	snop  }
0x4: {  	_ = 	snop  }
0x5: {  	_ = 	snop  }
0x6: {  	_ = 	snop  }
0x7: {  	_ = 	snop  }
__scs_overlays_trampoline_lowered:
0x8: {  	[smem:$0x3F9B] =	sst s0  }
0x9: {  	[smem:$0x3F9C] =	sst s1  }
0xa: {  	[smem:$0x3F9D] =	sst s2  }
0xb: {  	[smem:$0x3F9E] =	sst s3  }
0xc: {  	[smem:$0x3F9F] =	sst s4  }
0xd: {  	[smem:$0x3FA0] =	sst s5  }
0xe: {  	[smem:$0x3FA1] =	sst s6  }
0xf: {  	[smem:$0x3FA2] =	sst s7  }
0x10: {  	[smem:$0x3FA3] =	sst s8  }
0x11: {  	[smem:$0x3FA4] =	sst s9;
	s0 =	simm.s32 @!p0 $0x0  }
0x12: {  	s1 =	sld [smem:$0x3F8A];
	s0 =	simm.s32 @p0 $0x1  }
0x13: {  	[smem:$0x3FA5] =	sst s0;
	s0 =	simm.s32 @!p1 $0x0  }
0x14: {  	s2 =	sld [smem:$0x3F89];
	s0 =	simm.s32 @p1 $0x1  }
0x15: {  	[smem:$0x3FA6] =	sst s0;
	s0 =	simm.s32 @!p2 $0x0  }
0x16: {  	s3 =	sld [smem:$0x3FDB];
	s0 =	simm.s32 @p2 $0x1  }
0x17: {  	s4 =	simm.s32 $0x1BF5;
	[smem:$0x3FA8] =	sst s0  }
0x18: {  	s0 =	sld [smem:$0x3F8B];
	_ =	swait.ge [sflag:s4], $0x0  }
0x19: {  	s7 =	sld [smem:$0x3F8C]  }
0x1a: {  	s8 =	sadd.s32 $0xFFFFE003, lr  }
0x1b: {  	s9 =	sadd.s32 $0xFFFFFEF7, lr;
	s5 =	simm.s32 $0xFFFFFFFF;
	p2 =	slt.u32 s8, $0xFFFFF086  }
0x1c: {  	p1 =	slt.u32 s9, $0xF7A;
	s5 =	simm.s32 @!p2 $0x0  }
0x1d: {  	s5 =	simm.s32 @p1 $0x1;
	p0 =	seq.s32 s7, s2  }
0x1e: {  	s7 =	smul.u32 @!p0 $0xF7A, s2;
	p2 =	seq.s32 @!p0 s5, $0x0  }
0x1f: {  	s9 =	smul.u32 $0xF7A, s1;
	s8 =	simm.s32 @!p0 $0x1BF5;
	p2 =	por !p2, p0  }
0x20: {  	[sflag:s8] =	ssyncset.s32 @!p0 $0xFFFFF086;
	s6 =	sadd.s32 @!p0 s3, s7;
	s7 =	simm.s32 @!p0 $0x108  }
0x21: {  	s3 =	sadd.s32 s3, s9;
	s6 =	sadd.s32 @!p0 $0x88, s6;
	s7 =	simm.s32 @p2 $0x1082  }
0x22: {  	[simem:s7], [sflag:s8] =	dma.local @!p0 [hbm:s6], $0xF7A  }
0x23: {  	s9 =	sor.u32 $0xD0000000, s2;
	s6 =	simm.s32 $0x108;
	_ =	swait.ge @!p0 [sflag:s8], $0x0  }
0x24: {  	s3 =	sadd.s32 $0x88, s3;
	s6 =	simm.s32 @!p1 $0x1082;
	[sflag:s4] =	ssyncset.s32 $0xFFFFF086  }
0x25: {  	[simem:s6], [sflag:s4] =	dma.local [hbm:s3], $0xF7A  }
0x26: {  	[smem:$0x3F8C] =	sst s1;
	(tag) =	ssettag s2;
	_ =	strace s9  }
0x27: {  	s1 =	sld [smem:$0x3F9C]  }
0x28: {  	s2 =	sld [smem:$0x3F9D]  }
0x29: {  	s4 =	sld [smem:$0x3F9F]  }
0x2a: {  	p0 =	seq.s32 s5, $0x0;
	s5 =	sld [smem:$0x3FA0]  }
0x2b: {  	s6 =	sld [smem:$0x3FA1]  }
0x2c: {  	s7 =	sld [smem:$0x3FA2]  }
0x2d: {  	s3 =	simm.s32 $0x108;
	s8 =	sld [smem:$0x3FA3]  }
0x2e: {  	s3 =	simm.s32 @!p0 $0x1082;
	s9 =	sld [smem:$0x3FA4]  }
0x2f: {  	lr =	sadd.s32 s0, s3;
	s0 =	sld [smem:$0x3F9B]  }
0x30: {  	s3 =	sld [smem:$0x3F9E]  }
0x31: {  	[smem:$0x3FA7] =	sst s10  }
0x32: {  	s10 =	sld [smem:$0x3FA5];
	_ =	sdelay $0x3  }
0x33: {  	p0 =	seq.s32 s10, $0x1;
	s10 =	sld [smem:$0x3FA7];
	_ =	sdelay $0x3  }
0x34: {  	[smem:$0x3FA7] =	sst s10  }
0x35: {  	s10 =	sld [smem:$0x3FA6];
	_ =	sdelay $0x3  }
0x36: {  	p1 =	seq.s32 s10, $0x1;
	s10 =	sld [smem:$0x3FA7];
	_ =	sdelay $0x3  }
0x37: {  	[smem:$0x3FA7] =	sst s10  }
0x38: {  	s10 =	sld [smem:$0x3FA8]  }
0x39: {  	_ = 	snop;
	(pc) =	sbr.ind lr, $3  }
0x3a: {  	_ = 	snop  }
0x3b: {  	_ = 	snop  }
0x3c: {  	p2 =	seq.s32 s10, $0x1;
	s10 =	sld [smem:$0x3FA7]  }
0x3d: {  	_ =	shalt  }
0x3e: {  	_ =	shalt  }
0x3f: {  	_ =	shalt  }
0x40: {  	_ =	shalt  }
0x41: {  	_ =	shalt  }
0x42: {  	_ =	shalt  }
0x43: {  	_ =	shalt  }
0x44: {  	_ =	shalt  }
0x45: {  	_ =	shalt  }
0x46: {  	_ =	shalt  }
0x47: {  	_ =	shalt  }
0x48: {  	_ =	shalt  }
0x49: {  	_ =	shalt  }
0x4a: {  	_ =	shalt  }
0x4b: {  	_ =	shalt  }
0x4c: {  	_ =	shalt  }
0x4d: {  	_ =	shalt  }
0x4e: {  	_ =	shalt  }
0x4f: {  	_ =	shalt  }
0x50: {  	_ =	shalt  }
0x51: {  	_ =	shalt  }
0x52: {  	_ =	shalt  }
0x53: {  	_ =	shalt  }
0x54: {  	_ =	shalt  }
0x55: {  	_ =	shalt  }
0x56: {  	_ =	shalt  }
0x57: {  	_ =	shalt  }
0x58: {  	_ =	shalt  }
0x59: {  	_ =	shalt  }
0x5a: {  	_ =	shalt  }
0x5b: {  	_ =	shalt  }
0x5c: {  	_ =	shalt  }
0x5d: {  	_ =	shalt  }
0x5e: {  	_ =	shalt  }
0x5f: {  	_ =	shalt  }
0x60: {  	_ =	shalt  }
0x61: {  	_ =	shalt  }
0x62: {  	_ =	shalt  }
0x63: {  	_ =	shalt  }
0x64: {  	_ =	shalt  }
0x65: {  	_ =	shalt  }
0x66: {  	_ =	shalt  }
0x67: {  	_ =	shalt  }
0x68: {  	_ =	shalt  }
0x69: {  	_ =	shalt  }
0x6a: {  	_ =	shalt  }
0x6b: {  	_ =	shalt  }
0x6c: {  	_ =	shalt  }
0x6d: {  	_ =	shalt  }
0x6e: {  	_ =	shalt  }
0x6f: {  	_ =	shalt  }
0x70: {  	_ =	shalt  }
0x71: {  	_ =	shalt  }
0x72: {  	_ =	shalt  }
0x73: {  	_ =	shalt  }
0x74: {  	_ =	shalt  }
0x75: {  	_ =	shalt  }
0x76: {  	_ =	shalt  }
0x77: {  	_ =	shalt  }
0x78: {  	_ =	shalt  }
0x79: {  	_ =	shalt  }
0x7a: {  	_ =	shalt  }
0x7b: {  	_ =	shalt  }
0x7c: {  	_ =	shalt  }
0x7d: {  	_ =	shalt  }
0x7e: {  	_ =	shalt  }
0x7f: {  	_ =	shalt  }
0x80: {  	_ =	shalt  }
0x81: {  	_ =	shalt  }
0x82: {  	_ =	shalt  }
0x83: {  	_ =	shalt  }
0x84: {  	_ =	shalt  }
0x85: {  	_ =	shalt  }
0x86: {  	_ =	shalt  }
0x87: {  	_ =	shalt  }
.Lfunc_end0:
.L_simem_size_0:
called_computation.1_lowered:
.L_overlay_start_0:
0x88: {  	s2 =	sld [smem:$0x3FD9]  }
0x89: {  	s3 =	sld [smem:$0x3FFE];
	_ =	sdelay $0x1  }
0x8a: {  	s1 =	srdreg.scid  }
0x8b: {  	s0 =	sand.u32 $0x1, s1  }
0x8c: {  	s14 =	sshll.u32 s0, $0xA;
	s2 =	sadd.s32 s3, s2  }
0x8d: {  	s2 =	sadd.s32 s2, s14  }
0x8e: {  	[smem:$0x3FB3] =	sst s2  }
0x8f: {  	_ = 	snop  }
0x90: {  	s2 =	sld [smem:$0x3FD0];
	_ =	sdelay $0x2  }
0x91: {  	s15 =	simm.s32 $0xA;
	s4 =	simm.s32 $0x10  }
0x92: {  	[smem:s4], [sflag:s15] =	dma.local [hbm:s2], $0x1  }
0x93: {  	_ =	swait.eq [sflag:s15], $0x1  }
0x94: {  	[sflag:s15] =	ssyncset.done $0x0  }
0x95: {  	s16 =	sld [smem:$0x12];
	[sflag:s15] =	ssyncadd.s32 $0xFFFFFFFF  }
0x96: {  	s17 =	sld [smem:$0x14];
	(tm) =	ssettm $0x1  }
0x97: {  	s18 =	sld [smem:$0x3FFB];
	_ =	sdelay $0x3  }
0x98: {  	_ =	strace s18  }
0x99: {  	s4 =	sld [smem:$0x3FFC];
	_ =	sdelay $0x3  }
0x9a: {  	_ =	strace s4  }
0x9b: {  	s4 =	sld [smem:$0x3FFD];
	_ =	sdelay $0x3  }
0x9c: {  	_ =	strace s4  }
0x9d: {  	_ =	strace $0x8FFFFFFF  }
0x9e: {  	s19 =	sld [smem:$0x3FDB];
	_ =	sdelay $0x1  }
0x9f: {  	s5 =	simm.s32 $_scs_section_size  }
0xa0: {  	s6 =	simm.s32 $_size__tile_overlayer_lowered;
	s7 =	simm.s32 $_tile_overlayer_lowered  }
0xa1: {  	s22 =	simm.s32 $0x1BFF;
	s21 =	sshll.u32 s7, $0x1;
	s4 =	sadd.s32 s5, s19  }
0xa2: {  	s8 =	simm.s32 $0x0;
	s20 =	sshll.u32 s6, $0x1;
	s6 =	sadd.s32 s21, s4  }
0xa3: {  	[timem:s8], [sflag:s22] =	dma.local [hbm:s6], s20  }
0xa4: {  	_ =	swait.ge [sflag:s22], s20  }
0xa5: {  	s5 =	ssub.s32 $0x0, s20;
	[sflag:s22] =	ssyncset.done $0x0  }
0xa6: {  	[sflag:s22] =	ssyncadd.s32 s5;
	_ =	sdelay $0x1  }
0xa7: {  	s23 =	simm.s32 $0x1B8B  }
0xa8: {  	_ =	swait.ge [sflag:s23], $0x1  }
0xa9: {  	[sflag:s23] =	ssyncset.done $0x0  }
0xaa: {  	s25 =	simm.s32 $0x1B8E;
	s24 =	sld [smem:$0x3FFE];
	[sflag:s23] =	ssyncadd.s32 $0xFFFFFFFF  }
0xab: {  	s26 =	simm.s32 $execute0_lowered;
	[smem:$0x3FD2] =	sst s25  }
0xac: {  	s6 =	sshll.u32 s26, $0x1;
	_ =	strace $0x80000049;
	[dreg:$0x1] =	wrdreg $0xFFFFFFFF  }
0xad: {  	s28 =	simm.s32 $_size_execute0_lowered;
	s4 =	sadd.s32 s4, s6;
	[dreg:$0x0] =	wrdreg $0x0  }
0xae: {  	s6 =	sshll.u32 s28, $0x1;
	[dreg:$0x2] =	wrdreg s4  }
0xaf: {  	[dreg:$0x3] =	wrdreg s6  }
0xb0: {  	[dreg:$0x4] =	wrdreg $0xC0  }
0xb1: {  	_ =	task [dreg:s8], $0x5FFFF  }
0xb2: {  	[dreg:$0x1] =	wrdreg $0xFFFFFFFF  }
0xb3: {  	[dreg:$0x0] =	wrdreg $0x60  }
0xb4: {  	[dreg:$0x2] =	wrdreg s24  }
0xb5: {  	[dreg:$0x3] =	wrdreg s16  }
0xb6: {  	[dreg:$0x4] =	wrdreg s17  }
0xb7: {  	[dreg:$0x5] =	wrdreg $0x40800  }
0xb8: {  	[dreg:$0x6] =	wrdreg $0x9  }
0xb9: {  	_ =	task.clear_ibuf [dreg:s8], $0x7FFFF;
	_ =	strace $0x90000049  }
0xba: {  	s29 =	simm.s32 $0x9;
	_ =	strace $0x8000004B  }
0xbb: {  	_ =	swait.ge [sflag:s29], $0x1  }
0xbc: {  	[sflag:s29] =	ssyncadd.s32 $0xFFFFFFFF  }
0xbd: {  	_ =	strace $0x9000004B  }
0xbe: {  	_ =	sfence  }
0xbf: {  	s30 =	sld [smem:$0x0];
	_ =	sdelay $0x2  }
0xc0: {  	s31 =	sshll.u32 s1, $0xD;
	s1 =	sshrl.u32 s1, $0x2  }
0xc1: {  	s3 =	sand.u32 $0x4000, s31;
	s1 =	sadd.s32 s1, s30  }
0xc2: {  	s0 =	sor.u32 s3, s0;
	s1 =	sshll.u32 s1, $0x11  }
0xc3: {  	s0 =	sor.u32 s1, s0  }
0xc4: {  	s0 =	sadd.s32 $0x8F2B, s0  }
0xc5: {  	[sflag:s0] =	ssyncadd.remote.s32 $0x1  }
0xc6: {  	_ =	sfence.sel $0xFFFF  }
0xc7: {  	[dreg:$0x0] =	wrdreg $0xFFFFFFFF;
	(pc) =	sbr.abs _section_cstart, $3  }
0xc8: {  	[dreg:$0x1] =	wrdreg $0xFFFFFFFF  }
0xc9: {  	_ =	task.clear_ibuf [dreg:s8], $0x2FFFF;
	_ =	strace $0x9FFFFFFF  }
0xca: {  	(tm) =	ssettm $0x7FFFFFFF  }
0xcb: {  	_ =	shalt  }
tec
execute0_lowered:
.L_overlay_start_1:
0x0: {  	(tag) =	ssettag $0x1  }
0x1: {  	s5 =	rddreg [dreg:$0x0];
	s4 =	srdreg.scid  }
0x2: {  	s21 =	rddreg [dreg:$0x1];
	s15 =	sand.u32 $0x1, s4  }
0x3: {  	s4 =	stileid.u32;
	s6 =	smul.u32 $0x278000, s15  }
0x4: {  	s1 =	rddreg [dreg:$0x2];
	s7 =	smul.u32 $0x50000, s4  }
0x5: {  	s2 =	rddreg [dreg:$0x3];
	s18 =	smul.u32 $0x140000, s15  }
0x6: {  	s0 =	rddreg [dreg:$0x4];
	s3 =	simm.s32 $0x0;
	s17 =	smul.u32 $0x14000, s4  }
0x7: {  	[smem:$0x7FF] =	sst s3;
	s20 =	sadd.s32 $0x2C000, s5;
	s23 =	smul.u32 $0x27800, s15  }
0x8: {  	_ =	strace $0x8000004A;
	s13 =	ssub.s32 $0x2, s15;
	s25 =	smul.u32 $0x2780, s4  }
0x9: {  	s29 =	smul.u32 $0x27800, s4;
	s14 =	sshrl.u32 s13, $0x1;
	s19 =	sadd.s32 s6, s5  }
0xa: {  	s7 =	sshrl.u32 s7, $0x2;
	s6 =	ssub.s32 s13, s14;
	s11 =	sadd.s32 s18, s17  }
0xb: {  	s12 =	sadd.s32 $0x4000, s17;
	s16 =	sadd.s32 $0x8000, s17;
	s22 =	sadd.s32 $0xC000, s17  }
0xc: {  	s28 =	sadd.s32 $0x10000, s17;
	s23 =	sadd.s32 s25, s23;
	s5 =	sadd.s32 s7, s2  }
0xd: {  	s6 =	smax.u32 s6, $0x1;
	s11 =	sshrl.u32 s11, $0x3;
	s13 =	sadd.s32 s18, s12  }
0xe: {  	s12 =	sadd.s32 s12, s2;
	s14 =	sadd.s32 s16, s2;
	s16 =	sadd.s32 s18, s16  }
0xf: {  	s24 =	sadd.s32 s18, s22;
	s30 =	sadd.s32 s18, s28;
	s18 =	sadd.s32 s28, s2  }
0x10: {  	s31 =	sadd.s32 s29, s19;
	s23 =	sshrl.u32 s23, $0x3;
	s7 =	sadd.s32 $0x4000, s5  }
0x11: {  	s8 =	sadd.s32 $0x8000, s5;
	s9 =	sadd.s32 $0xC000, s5;
	s10 =	sadd.s32 $0x10000, s5  }
0x12: {  	s11 =	sadd.s32 s20, s11;
	s13 =	sshrl.u32 s13, $0x3;
	s16 =	sshrl.u32 s16, $0x3  }
0x13: {  	s26 =	sshrl.u32 s24, $0x3;
	s21 =	sadd.s32 s23, s21;
	s23 =	simm.s32 $0x1  }
0x14: {  	s24 =	simm.s32 $0x0;
	s13 =	sadd.s32 s20, s13;
	s15 =	sadd.s32 s20, s16  }
0x15: {  	s16 =	sadd.s32 s22, s2;
	s17 =	sadd.s32 s20, s26;
	s22 =	sshrl.u32 s30, $0x3  }
0x16: {  	s19 =	sadd.s32 s20, s22;
	s20 =	sadd.s32 $0x18CE000, s31;
	s22 =	simm.s32 $0x80  }
.LBB2_1:
0x17: {  	[tilespmem:s22], [sflag:$0x1] =	stream.linear.gather [hbm4b:s1+s3], $0x4000, $0x38;
	[tilespmem:$0x18080] =	vst v63  }
0x18: {  	_ =	swait.ge [sflag:s23], $0x4000  }
0x19: {  	[sflag:s23] =	ssyncset.done $0x0  }
0x1a: {  	[sflag:s23] =	ssyncadd.s32 $0xFFFFC000  }
0x1b: {  	[spmem:s5] =	stream.linear.scatter [tilespmem:s22], [sflag:$0x1], $0x4000, $0x38;
	[tilespmem:$0x18080] =	vst v63  }
0x1c: {  	_ =	swait.ge [sflag:s23], $0x4000  }
0x1d: {  	[sflag:s23] =	ssyncset.done $0x0  }
0x1e: {  	[sflag:s23] =	ssyncadd.s32 $0xFFFFC000  }
0x1f: {  	[spmem:s7] =	stream.linear.scatter [tilespmem:s22], [sflag:$0x1], $0x4000, $0x38;
	[tilespmem:$0x18080] =	vst v63  }
0x20: {  	_ =	swait.ge [sflag:s23], $0x4000  }
0x21: {  	[sflag:s23] =	ssyncset.done $0x0  }
0x22: {  	[sflag:s23] =	ssyncadd.s32 $0xFFFFC000  }
0x23: {  	[spmem:s8] =	stream.linear.scatter [tilespmem:s22], [sflag:$0x1], $0x4000, $0x38;
	[tilespmem:$0x18080] =	vst v63  }
0x24: {  	_ =	swait.ge [sflag:s23], $0x4000  }
0x25: {  	[sflag:s23] =	ssyncset.done $0x0  }
0x26: {  	[sflag:s23] =	ssyncadd.s32 $0xFFFFC000  }
0x27: {  	[spmem:s9] =	stream.linear.scatter [tilespmem:s22], [sflag:$0x1], $0x4000, $0x38;
	[tilespmem:$0x18080] =	vst v63  }
0x28: {  	_ =	swait.ge [sflag:s23], $0x4000  }
0x29: {  	[sflag:s23] =	ssyncset.done $0x0  }
0x2a: {  	[sflag:s23] =	ssyncadd.s32 $0xFFFFC000  }
0x2b: {  	[spmem:s10] =	stream.linear.scatter [tilespmem:s22], [sflag:$0x1], $0x4000, $0x38;
	[tilespmem:$0x18080] =	vst v63  }
0x2c: {  	_ =	swait.ge [sflag:s23], $0x4000  }
0x2d: {  	[sflag:s23] =	ssyncset.done $0x0  }
0x2e: {  	[sflag:s23] =	ssyncadd.s32 $0xFFFFC000  }
0x2f: {  	s25 =	sadd.s32 $0x0, s21;
	[bflag:$0x0] =	sbarrier.arrive $0xFFFF  }
0x30: {  	[tilespmem:s3], [sflag:$0x1] =	stream.linear.gather [hbm4b:s25+s3], $0x80, $0x38;
	[tilespmem:$0x18080] =	vst v63  }
0x31: {  	_ =	swait.ge [sflag:s23], $0x80  }
0x32: {  	[sflag:s23] =	ssyncset.done $0x0  }
0x33: {  	[sflag:s23] =	ssyncadd.s32 $0xFFFFFF80  }
0x34: {  	[tilespmem:s22], [sflag:$0x1] =	stream.linear.gather [hbm4b:s20+s3], $0x4000, $0x38;
	[tilespmem:$0x18080] =	vst v63  }
0x35: {  	_ =	swait.ge [sflag:s23], $0x4000  }
0x36: {  	[sflag:s23] =	ssyncset.done $0x0  }
0x37: {  	[sflag:s23] =	ssyncadd.s32 $0xFFFFC000  }
0x38: {  	[spmem:s2] =	stream.indirect.scatter.add.f32 [tilespmem:s22], [sflag:$0x1], $0x80, s3, s22, $0xb8;
	[tilespmem:$0x18080] =	vst v63  }
0x39: {  	s26 =	simm.s32 $0x10;
	_ =	swait.ge [sflag:s23], $0x4000  }
0x3a: {  	s28 =	simm.s32 $0x20;
	s25 =	sadd.s32 $0x800, s20;
	[sflag:s23] =	ssyncset.done $0x0  }
.LBB2_2:
0x3b: {  	s29 =	sadd.s32 s26, s21  }
0x3c: {  	[sflag:s23] =	ssyncadd.s32 $0xFFFFC000;
	s26 =	smov.u32 s28;
	s30 =	sadd.s32 $0x10, s28  }
0x3d: {  	[tilespmem:s3], [sflag:$0x1] =	stream.linear.gather [hbm4b:s29+s3], $0x80, $0x38;
	[tilespmem:$0x18080] =	vst v63  }
0x3e: {  	p0 =	sne.s32 s28, $0x4E0;
	_ =	swait.ge [sflag:s23], $0x80  }
0x3f: {  	[sflag:s23] =	ssyncset.done $0x0  }
0x40: {  	[sflag:s23] =	ssyncadd.s32 $0xFFFFFF80  }
0x41: {  	[tilespmem:s22], [sflag:$0x1] =	stream.linear.gather [hbm4b:s25+s3], $0x4000, $0x38;
	[tilespmem:$0x18080] =	vst v63  }
0x42: {  	_ =	swait.ge [sflag:s23], $0x4000  }
.Ltmp0:
0x43: {  	[sflag:s23] =	ssyncset.done $0x0;
	(pc) =	sbr.rel @p0 .LBB2_2-.Ltmp0, $4  }
0x44: {  	[sflag:s23] =	ssyncadd.s32 $0xFFFFC000  }
0x45: {  	[spmem:s2] =	stream.indirect.scatter.add.f32 [tilespmem:s22], [sflag:$0x1], $0x80, s3, s22, $0xb8;
	[tilespmem:$0x18080] =	vst v63  }
0x46: {  	_ =	swait.ge [sflag:s23], $0x4000  }
0x47: {  	s28 =	smov.u32 s30;
	s25 =	sadd.s32 $0x800, s25;
	[sflag:s23] =	ssyncset.done $0x0  }
0x48: {  	s26 =	sadd.s32 s26, s21;
	[sflag:s23] =	ssyncadd.s32 $0xFFFFC000  }
0x49: {  	[tilespmem:s3], [sflag:$0x1] =	stream.linear.gather [hbm4b:s26+s3], $0x80, $0x38;
	[tilespmem:$0x18080] =	vst v63  }
0x4a: {  	_ =	swait.ge [sflag:s23], $0x80  }
0x4b: {  	[sflag:s23] =	ssyncset.done $0x0  }
0x4c: {  	[sflag:s23] =	ssyncadd.s32 $0xFFFFFF80  }
0x4d: {  	[tilespmem:s22], [sflag:$0x1] =	stream.linear.gather [hbm4b:s25+s3], $0x4000, $0x38;
	[tilespmem:$0x18080] =	vst v63  }
0x4e: {  	_ =	swait.ge [sflag:s23], $0x4000  }
0x4f: {  	[sflag:s23] =	ssyncset.done $0x0  }
0x50: {  	[sflag:s23] =	ssyncadd.s32 $0xFFFFC000  }
0x51: {  	[spmem:s2] =	stream.indirect.scatter.add.f32 [tilespmem:s22], [sflag:$0x1], $0x80, s3, s22, $0xb8;
	[tilespmem:$0x18080] =	vst v63  }
0x52: {  	_ =	swait.ge [sflag:s23], $0x4000  }
0x53: {  	[sflag:s23] =	ssyncset.done $0x0  }
0x54: {  	[sflag:s23] =	ssyncadd.s32 $0xFFFFC000  }
0x55: {  	[bflag:$0x0] =	sbarrier.arrive $0xFFFF  }
0x56: {  	[tilespmem:s22], [sflag:$0x1] =	stream.linear.gather [spmem:s5], $0x4000, $0x38;
	[tilespmem:$0x18080] =	vst v63  }
0x57: {  	_ =	swait.ge [sflag:s23], $0x4000  }
0x58: {  	[sflag:s23] =	ssyncset.done $0x0  }
0x59: {  	[sflag:s23] =	ssyncadd.s32 $0xFFFFC000  }
0x5a: {  	[hbm4b:s11+s3] =	stream.linear.scatter [tilespmem:s22], [sflag:$0x1], $0x4000, $0x38;
	[tilespmem:$0x18080] =	vst v63  }
0x5b: {  	_ =	swait.ge [sflag:s23], $0x4000  }
0x5c: {  	[sflag:s23] =	ssyncset.done $0x0  }
0x5d: {  	[sflag:s23] =	ssyncadd.s32 $0xFFFFC000  }
0x5e: {  	[tilespmem:s22], [sflag:$0x1] =	stream.linear.gather [spmem:s12], $0x4000, $0x38;
	[tilespmem:$0x18080] =	vst v63  }
0x5f: {  	_ =	swait.ge [sflag:s23], $0x4000  }
0x60: {  	[sflag:s23] =	ssyncset.done $0x0  }
0x61: {  	[sflag:s23] =	ssyncadd.s32 $0xFFFFC000  }
0x62: {  	[hbm4b:s13+s3] =	stream.linear.scatter [tilespmem:s22], [sflag:$0x1], $0x4000, $0x38;
	[tilespmem:$0x18080] =	vst v63  }
0x63: {  	_ =	swait.ge [sflag:s23], $0x4000  }
0x64: {  	[sflag:s23] =	ssyncset.done $0x0  }
0x65: {  	[sflag:s23] =	ssyncadd.s32 $0xFFFFC000  }
0x66: {  	[tilespmem:s22], [sflag:$0x1] =	stream.linear.gather [spmem:s14], $0x4000, $0x38;
	[tilespmem:$0x18080] =	vst v63  }
0x67: {  	_ =	swait.ge [sflag:s23], $0x4000  }
0x68: {  	[sflag:s23] =	ssyncset.done $0x0  }
0x69: {  	[sflag:s23] =	ssyncadd.s32 $0xFFFFC000  }
0x6a: {  	[hbm4b:s15+s3] =	stream.linear.scatter [tilespmem:s22], [sflag:$0x1], $0x4000, $0x38;
	[tilespmem:$0x18080] =	vst v63  }
0x6b: {  	_ =	swait.ge [sflag:s23], $0x4000  }
0x6c: {  	[sflag:s23] =	ssyncset.done $0x0  }
0x6d: {  	[sflag:s23] =	ssyncadd.s32 $0xFFFFC000  }
0x6e: {  	[tilespmem:s22], [sflag:$0x1] =	stream.linear.gather [spmem:s16], $0x4000, $0x38;
	[tilespmem:$0x18080] =	vst v63  }
0x6f: {  	_ =	swait.ge [sflag:s23], $0x4000  }
0x70: {  	[sflag:s23] =	ssyncset.done $0x0  }
0x71: {  	[sflag:s23] =	ssyncadd.s32 $0xFFFFC000  }
0x72: {  	[hbm4b:s17+s3] =	stream.linear.scatter [tilespmem:s22], [sflag:$0x1], $0x4000, $0x38;
	[tilespmem:$0x18080] =	vst v63  }
0x73: {  	_ =	swait.ge [sflag:s23], $0x4000  }
0x74: {  	[sflag:s23] =	ssyncset.done $0x0  }
0x75: {  	[sflag:s23] =	ssyncadd.s32 $0xFFFFC000  }
0x76: {  	[tilespmem:s22], [sflag:$0x1] =	stream.linear.gather [spmem:s18], $0x4000, $0x38;
	[tilespmem:$0x18080] =	vst v63  }
0x77: {  	s24 =	sadd.s32 $0x1, s24;
	_ =	swait.ge [sflag:s23], $0x4000  }
0x78: {  	p0 =	sne.s32 s24, s6;
	[sflag:s23] =	ssyncset.done $0x0  }
.Ltmp1:
0x79: {  	[sflag:s23] =	ssyncadd.s32 $0xFFFFC000;
	(pc) =	sbr.rel @p0 .LBB2_1-.Ltmp1, $4  }
0x7a: {  	[hbm4b:s19+s3] =	stream.linear.scatter [tilespmem:s22], [sflag:$0x1], $0x4000, $0x38;
	[tilespmem:$0x18080] =	vst v63  }
0x7b: {  	_ =	swait.ge [sflag:s23], $0x4000  }
0x7c: {  	[sflag:s23] =	ssyncset.done $0x0  }
0x7d: {  	[sflag:s23] =	ssyncadd.s32 $0xFFFFC000  }
0x7e: {  	_ =	sfence.sel $0x180000  }
0x7f: {  	[bflag:$0x0] =	sbarrier.arrive $0xFFFF  }
0x80: {  	p0 =	sne.s32 s4, $0x0;
	_ =	strace $0x9000004A  }
0x81: {  	s0 =	sadd.s32 @!p0 $0x100000, s0;
	[bflag:$0x2] =	sbarrier.arrive $0xFFFF  }
0x82: {  	[sflag:s0] =	ssyncadd.tile.s32 @!p0 $0x1;
	_ =	shalt  }
.Lfunc_end2:
_tile_overlayer_lowered:
.L_overlay_start_2:
0x83: {  	(tag) =	ssettag $0x2  }
0x84: {  	s0 =	rddreg [dreg:$0x0];
	s2 =	stileid.u32  }
0x85: {  	s1 =	rddreg [dreg:$0x1];
	p0 =	sne.s32 s2, $0x0  }
0x86: {  	s3 =	rddreg [dreg:$0x2];
	[bflag:$0x3] =	sbarrier.arrive $0xFFFF;
	s2 =	simm.s32 @!p0 $0x1C01  }
0x87: {  	[timem:s3], [sflag:s2] =	dma.local @!p0 [hbm:s0], s1  }
0x88: {  	s0 =	simm.s32 @!p0 $0x1  }
0x89: {  	_ =	swait.ge @!p0 [sflag:s0], s1  }
0x8a: {  	s1 =	ssub.s32 @!p0 $0x0, s1;
	[sflag:s0] =	ssyncset.done @!p0 $0x0  }
0x8b: {  	[sflag:s0] =	ssyncadd.s32 @!p0 s1  }
0x8c: {  	[bflag:$0x3] =	sbarrier.arrive $0xFFFF  }
0x8d: {  	_ =	shalt  }

// kernel: kernel.7.cloned.1.call-start
scs
__scs_entry_jumppad:
0x0: {  	(pc) =	sbr.rel $0x88, $3  }
0x1: {  	(tag) =	ssettag $0x0;
	lr =	simm.s32 $0x1  }
0x2: {  	[smem:$0x3F8C] =	sst lr;
	_ =	strace $0xD0000000  }
0x3: {  	_ = 	snop  }
0x4: {  	_ = 	snop  }
0x5: {  	_ = 	snop  }
0x6: {  	_ = 	snop  }
0x7: {  	_ = 	snop  }
__scs_overlays_trampoline_lowered:
0x8: {  	[smem:$0x3F9B] =	sst s0  }
0x9: {  	[smem:$0x3F9C] =	sst s1  }
0xa: {  	[smem:$0x3F9D] =	sst s2  }
0xb: {  	[smem:$0x3F9E] =	sst s3  }
0xc: {  	[smem:$0x3F9F] =	sst s4  }
0xd: {  	[smem:$0x3FA0] =	sst s5  }
0xe: {  	[smem:$0x3FA1] =	sst s6  }
0xf: {  	[smem:$0x3FA2] =	sst s7  }
0x10: {  	[smem:$0x3FA3] =	sst s8  }
0x11: {  	[smem:$0x3FA4] =	sst s9;
	s0 =	simm.s32 @!p0 $0x0  }
0x12: {  	s1 =	sld [smem:$0x3F8A];
	s0 =	simm.s32 @p0 $0x1  }
0x13: {  	[smem:$0x3FA5] =	sst s0;
	s0 =	simm.s32 @!p1 $0x0  }
0x14: {  	s2 =	sld [smem:$0x3F89];
	s0 =	simm.s32 @p1 $0x1  }
0x15: {  	[smem:$0x3FA6] =	sst s0;
	s0 =	simm.s32 @!p2 $0x0  }
0x16: {  	s3 =	sld [smem:$0x3FDB];
	s0 =	simm.s32 @p2 $0x1  }
0x17: {  	s4 =	simm.s32 $0x1BF5;
	[smem:$0x3FA8] =	sst s0  }
0x18: {  	s0 =	sld [smem:$0x3F8B];
	_ =	swait.ge [sflag:s4], $0x0  }
0x19: {  	s7 =	sld [smem:$0x3F8C]  }
0x1a: {  	s8 =	sadd.s32 $0xFFFFE003, lr  }
0x1b: {  	s9 =	sadd.s32 $0xFFFFFEF7, lr;
	s5 =	simm.s32 $0xFFFFFFFF;
	p2 =	slt.u32 s8, $0xFFFFF086  }
0x1c: {  	p1 =	slt.u32 s9, $0xF7A;
	s5 =	simm.s32 @!p2 $0x0  }
0x1d: {  	s5 =	simm.s32 @p1 $0x1;
	p0 =	seq.s32 s7, s2  }
0x1e: {  	s7 =	smul.u32 @!p0 $0xF7A, s2;
	p2 =	seq.s32 @!p0 s5, $0x0  }
0x1f: {  	s9 =	smul.u32 $0xF7A, s1;
	s8 =	simm.s32 @!p0 $0x1BF5;
	p2 =	por !p2, p0  }
0x20: {  	[sflag:s8] =	ssyncset.s32 @!p0 $0xFFFFF086;
	s6 =	sadd.s32 @!p0 s3, s7;
	s7 =	simm.s32 @!p0 $0x108  }
0x21: {  	s3 =	sadd.s32 s3, s9;
	s6 =	sadd.s32 @!p0 $0x88, s6;
	s7 =	simm.s32 @p2 $0x1082  }
0x22: {  	[simem:s7], [sflag:s8] =	dma.local @!p0 [hbm:s6], $0xF7A  }
0x23: {  	s9 =	sor.u32 $0xD0000000, s2;
	s6 =	simm.s32 $0x108;
	_ =	swait.ge @!p0 [sflag:s8], $0x0  }
0x24: {  	s3 =	sadd.s32 $0x88, s3;
	s6 =	simm.s32 @!p1 $0x1082;
	[sflag:s4] =	ssyncset.s32 $0xFFFFF086  }
0x25: {  	[simem:s6], [sflag:s4] =	dma.local [hbm:s3], $0xF7A  }
0x26: {  	[smem:$0x3F8C] =	sst s1;
	(tag) =	ssettag s2;
	_ =	strace s9  }
0x27: {  	s1 =	sld [smem:$0x3F9C]  }
0x28: {  	s2 =	sld [smem:$0x3F9D]  }
0x29: {  	s4 =	sld [smem:$0x3F9F]  }
0x2a: {  	p0 =	seq.s32 s5, $0x0;
	s5 =	sld [smem:$0x3FA0]  }
0x2b: {  	s6 =	sld [smem:$0x3FA1]  }
0x2c: {  	s7 =	sld [smem:$0x3FA2]  }
0x2d: {  	s3 =	simm.s32 $0x108;
	s8 =	sld [smem:$0x3FA3]  }
0x2e: {  	s3 =	simm.s32 @!p0 $0x1082;
	s9 =	sld [smem:$0x3FA4]  }
0x2f: {  	lr =	sadd.s32 s0, s3;
	s0 =	sld [smem:$0x3F9B]  }
0x30: {  	s3 =	sld [smem:$0x3F9E]  }
0x31: {  	[smem:$0x3FA7] =	sst s10  }
0x32: {  	s10 =	sld [smem:$0x3FA5];
	_ =	sdelay $0x3  }
0x33: {  	p0 =	seq.s32 s10, $0x1;
	s10 =	sld [smem:$0x3FA7];
	_ =	sdelay $0x3  }
0x34: {  	[smem:$0x3FA7] =	sst s10  }
0x35: {  	s10 =	sld [smem:$0x3FA6];
	_ =	sdelay $0x3  }
0x36: {  	p1 =	seq.s32 s10, $0x1;
	s10 =	sld [smem:$0x3FA7];
	_ =	sdelay $0x3  }
0x37: {  	[smem:$0x3FA7] =	sst s10  }
0x38: {  	s10 =	sld [smem:$0x3FA8]  }
0x39: {  	_ = 	snop;
	(pc) =	sbr.ind lr, $3  }
0x3a: {  	_ = 	snop  }
0x3b: {  	_ = 	snop  }
0x3c: {  	p2 =	seq.s32 s10, $0x1;
	s10 =	sld [smem:$0x3FA7]  }
0x3d: {  	_ =	shalt  }
0x3e: {  	_ =	shalt  }
0x3f: {  	_ =	shalt  }
0x40: {  	_ =	shalt  }
0x41: {  	_ =	shalt  }
0x42: {  	_ =	shalt  }
0x43: {  	_ =	shalt  }
0x44: {  	_ =	shalt  }
0x45: {  	_ =	shalt  }
0x46: {  	_ =	shalt  }
0x47: {  	_ =	shalt  }
0x48: {  	_ =	shalt  }
0x49: {  	_ =	shalt  }
0x4a: {  	_ =	shalt  }
0x4b: {  	_ =	shalt  }
0x4c: {  	_ =	shalt  }
0x4d: {  	_ =	shalt  }
0x4e: {  	_ =	shalt  }
0x4f: {  	_ =	shalt  }
0x50: {  	_ =	shalt  }
0x51: {  	_ =	shalt  }
0x52: {  	_ =	shalt  }
0x53: {  	_ =	shalt  }
0x54: {  	_ =	shalt  }
0x55: {  	_ =	shalt  }
0x56: {  	_ =	shalt  }
0x57: {  	_ =	shalt  }
0x58: {  	_ =	shalt  }
0x59: {  	_ =	shalt  }
0x5a: {  	_ =	shalt  }
0x5b: {  	_ =	shalt  }
0x5c: {  	_ =	shalt  }
0x5d: {  	_ =	shalt  }
0x5e: {  	_ =	shalt  }
0x5f: {  	_ =	shalt  }
0x60: {  	_ =	shalt  }
0x61: {  	_ =	shalt  }
0x62: {  	_ =	shalt  }
0x63: {  	_ =	shalt  }
0x64: {  	_ =	shalt  }
0x65: {  	_ =	shalt  }
0x66: {  	_ =	shalt  }
0x67: {  	_ =	shalt  }
0x68: {  	_ =	shalt  }
0x69: {  	_ =	shalt  }
0x6a: {  	_ =	shalt  }
0x6b: {  	_ =	shalt  }
0x6c: {  	_ =	shalt  }
0x6d: {  	_ =	shalt  }
0x6e: {  	_ =	shalt  }
0x6f: {  	_ =	shalt  }
0x70: {  	_ =	shalt  }
0x71: {  	_ =	shalt  }
0x72: {  	_ =	shalt  }
0x73: {  	_ =	shalt  }
0x74: {  	_ =	shalt  }
0x75: {  	_ =	shalt  }
0x76: {  	_ =	shalt  }
0x77: {  	_ =	shalt  }
0x78: {  	_ =	shalt  }
0x79: {  	_ =	shalt  }
0x7a: {  	_ =	shalt  }
0x7b: {  	_ =	shalt  }
0x7c: {  	_ =	shalt  }
0x7d: {  	_ =	shalt  }
0x7e: {  	_ =	shalt  }
0x7f: {  	_ =	shalt  }
0x80: {  	_ =	shalt  }
0x81: {  	_ =	shalt  }
0x82: {  	_ =	shalt  }
0x83: {  	_ =	shalt  }
0x84: {  	_ =	shalt  }
0x85: {  	_ =	shalt  }
0x86: {  	_ =	shalt  }
0x87: {  	_ =	shalt  }
.Lfunc_end0:
.L_simem_size_0:
called_computation_lowered:
.L_overlay_start_0:
0x88: {  	s2 =	sld [smem:$0x3FD9]  }
0x89: {  	s3 =	sld [smem:$0x3FFE];
	_ =	sdelay $0x1  }
0x8a: {  	s1 =	srdreg.scid  }
0x8b: {  	s0 =	sand.u32 $0x1, s1  }
0x8c: {  	s14 =	sshll.u32 s0, $0xA;
	s2 =	sadd.s32 s3, s2  }
0x8d: {  	s2 =	sadd.s32 s2, s14  }
0x8e: {  	[smem:$0x3FB3] =	sst s2  }
0x8f: {  	_ = 	snop  }
0x90: {  	s2 =	sld [smem:$0x3FD0];
	_ =	sdelay $0x2  }
0x91: {  	s15 =	simm.s32 $0xA;
	s4 =	simm.s32 $0x10  }
0x92: {  	[smem:s4], [sflag:s15] =	dma.local [hbm:s2], $0x1  }
0x93: {  	_ =	swait.eq [sflag:s15], $0x1  }
0x94: {  	[sflag:s15] =	ssyncset.done $0x0  }
0x95: {  	s16 =	sld [smem:$0x11];
	[sflag:s15] =	ssyncadd.s32 $0xFFFFFFFF  }
0x96: {  	s17 =	sld [smem:$0x12];
	(tm) =	ssettm $0x1  }
0x97: {  	s18 =	sld [smem:$0x3FFB];
	_ =	sdelay $0x3  }
0x98: {  	_ =	strace s18  }
0x99: {  	s4 =	sld [smem:$0x3FFC];
	_ =	sdelay $0x3  }
0x9a: {  	_ =	strace s4  }
0x9b: {  	s4 =	sld [smem:$0x3FFD];
	_ =	sdelay $0x3  }
0x9c: {  	_ =	strace s4  }
0x9d: {  	_ =	strace $0x8FFFFFFF  }
0x9e: {  	s19 =	sld [smem:$0x3FDB];
	_ =	sdelay $0x1  }
0x9f: {  	s5 =	simm.s32 $_scs_section_size  }
0xa0: {  	s6 =	simm.s32 $_size__tile_overlayer_lowered;
	s7 =	simm.s32 $_tile_overlayer_lowered  }
0xa1: {  	s22 =	simm.s32 $0x1BFF;
	s21 =	sshll.u32 s7, $0x1;
	s4 =	sadd.s32 s5, s19  }
0xa2: {  	s8 =	simm.s32 $0x0;
	s20 =	sshll.u32 s6, $0x1;
	s6 =	sadd.s32 s21, s4  }
0xa3: {  	[timem:s8], [sflag:s22] =	dma.local [hbm:s6], s20  }
0xa4: {  	_ =	swait.ge [sflag:s22], s20  }
0xa5: {  	s5 =	ssub.s32 $0x0, s20;
	[sflag:s22] =	ssyncset.done $0x0  }
0xa6: {  	[sflag:s22] =	ssyncadd.s32 s5;
	_ =	sdelay $0x1  }
0xa7: {  	s23 =	simm.s32 $0x1B8B  }
0xa8: {  	_ =	swait.ge [sflag:s23], $0x1  }
0xa9: {  	[sflag:s23] =	ssyncset.done $0x0  }
0xaa: {  	s25 =	simm.s32 $0x1B8E;
	s24 =	sld [smem:$0x3FFE];
	[sflag:s23] =	ssyncadd.s32 $0xFFFFFFFF  }
0xab: {  	s26 =	simm.s32 $execute0_lowered;
	[smem:$0x3FD2] =	sst s25  }
0xac: {  	s6 =	sshll.u32 s26, $0x1;
	_ =	strace $0x80000046;
	[dreg:$0x1] =	wrdreg $0xFFFFFFFF  }
0xad: {  	s28 =	simm.s32 $_size_execute0_lowered;
	s4 =	sadd.s32 s4, s6;
	[dreg:$0x0] =	wrdreg $0x0  }
0xae: {  	s6 =	sshll.u32 s28, $0x1;
	[dreg:$0x2] =	wrdreg s4  }
0xaf: {  	[dreg:$0x3] =	wrdreg s6  }
0xb0: {  	[dreg:$0x4] =	wrdreg $0xC0  }
0xb1: {  	_ =	task [dreg:s8], $0x5FFFF  }
0xb2: {  	[dreg:$0x1] =	wrdreg $0xFFFFFFFF  }
0xb3: {  	[dreg:$0x0] =	wrdreg $0x60  }
0xb4: {  	[dreg:$0x2] =	wrdreg s24  }
0xb5: {  	[dreg:$0x3] =	wrdreg s17  }
0xb6: {  	[dreg:$0x4] =	wrdreg s16  }
0xb7: {  	[dreg:$0x5] =	wrdreg $0x9  }
0xb8: {  	_ =	task.clear_ibuf [dreg:s8], $0x6FFFF;
	_ =	strace $0x90000046  }
0xb9: {  	s29 =	simm.s32 $0x9;
	_ =	strace $0x80000048  }
0xba: {  	_ =	swait.ge [sflag:s29], $0x1  }
0xbb: {  	[sflag:s29] =	ssyncadd.s32 $0xFFFFFFFF  }
0xbc: {  	_ =	strace $0x90000048  }
0xbd: {  	_ =	sfence  }
0xbe: {  	s30 =	sld [smem:$0x0];
	_ =	sdelay $0x2  }
0xbf: {  	s31 =	sshll.u32 s1, $0xD;
	s1 =	sshrl.u32 s1, $0x2  }
0xc0: {  	s3 =	sand.u32 $0x4000, s31;
	s1 =	sadd.s32 s1, s30  }
0xc1: {  	s0 =	sor.u32 s3, s0;
	s1 =	sshll.u32 s1, $0x11  }
0xc2: {  	s0 =	sor.u32 s1, s0  }
0xc3: {  	s0 =	sadd.s32 $0x8F2B, s0  }
0xc4: {  	[sflag:s0] =	ssyncadd.remote.s32 $0x1  }
0xc5: {  	_ =	sfence.sel $0xFFFF  }
0xc6: {  	[dreg:$0x0] =	wrdreg $0xFFFFFFFF;
	(pc) =	sbr.abs _section_cstart, $3  }
0xc7: {  	[dreg:$0x1] =	wrdreg $0xFFFFFFFF  }
0xc8: {  	_ =	task.clear_ibuf [dreg:s8], $0x2FFFF;
	_ =	strace $0x9FFFFFFF  }
0xc9: {  	(tm) =	ssettm $0x7FFFFFFF  }
tec
execute0_lowered:
.L_overlay_start_1:
0x0: {  	(tag) =	ssettag $0x1  }
0x1: {  	s4 =	rddreg [dreg:$0x0]  }
0x2: {  	s8 =	rddreg [dreg:$0x1]  }
0x3: {  	s7 =	rddreg [dreg:$0x2];
	s0 =	stileid.u32  }
0x4: {  	s3 =	srdreg.scid;
	s1 =	rddreg [dreg:$0x3]  }
0x5: {  	s2 =	simm.s32 $0x0;
	s10 =	simm.s32 $0x80;
	s11 =	simm.s32 $0x100  }
0x6: {  	s12 =	simm.s32 $0x4100;
	s13 =	simm.s32 $0x1;
	s5 =	smul.u32 $0x2780, s0  }
0x7: {  	s14 =	simm.s32 $0x2;
	s15 =	simm.s32 $0x0;
	s3 =	sand.u32 $0x1, s3  }
0x8: {  	p0 =	seq.s32 s3, $0x0;
	s3 =	ssub.s32 $0x2, s3;
	s9 =	sadd.s32 $0x27800, s5  }
0x9: {  	[smem:$0x7FF] =	sst s2;
	s31 =	sshrl.u32 s3, $0x1;
	s9 =	smov.u32 @p0 s5  }
0xa: {  	_ =	strace $0x80000047;
	s5 =	ssub.s32 s3, s31;
	s6 =	sshll.u32 s9, $0x4  }
0xb: {  	s3 =	sadd.s32 $0x4000, s4;
	s9 =	sshrl.u32 s9, $0x3;
	s6 =	sadd.s32 s6, s4  }
0xc: {  	s4 =	smax.u32 s5, $0x1;
	s7 =	sadd.s32 s9, s7;
	s8 =	sadd.s32 s9, s8  }
0xd: {  	s9 =	simm.s32 $0x3;
	s5 =	sadd.s32 $0x2C000, s6;
	s6 =	sadd.s32 $0x51C000, s6  }
.LBB2_1:
0xe: {  	s16 =	sadd.s32 $0x0, s8  }
0xf: {  	[tilespmem:s2], [sflag:$0x3] =	stream.linear.gather [hbm4b:s16+s2], $0x80, $0x38;
	[tilespmem:$0x8100] =	vst v63  }
0x10: {  	_ =	swait.ge [sflag:s9], $0x80  }
0x11: {  	[sflag:s9] =	ssyncset.done $0x0  }
0x12: {  	s31 =	sadd.s32 $0x0, s7;
	[sflag:s9] =	ssyncadd.s32 $0xFFFFFF80  }
0x13: {  	[tilespmem:s10], [sflag:$0x3] =	stream.linear.gather [hbm4b:s31+s2], $0x80, $0x38;
	[tilespmem:$0x8100] =	vst v63  }
0x14: {  	_ =	swait.ge [sflag:s9], $0x80  }
0x15: {  	[sflag:s9] =	ssyncset.done $0x0  }
0x16: {  	[sflag:s9] =	ssyncadd.s32 $0xFFFFFF80  }
0x17: {  	[tilespmem:s11], [sflag:$0x1] =	stream.indirect.gather [hbm4b:s3+s10], $0x80, s2, s10, $0xb8;
	[tilespmem:$0x8100] =	vst v63  }
0x18: {  	_ = 	snop  }
0x19: {  	[tilespmem:s12], [sflag:$0x2] =	stream.indirect.gather [hbm4b:s3+s10], $0x80, s10, s10, $0xb8;
	[tilespmem:$0x8100] =	vst v63  }
0x1a: {  	_ =	swait.ge [sflag:s13], $0x4000  }
0x1b: {  	[sflag:s13] =	ssyncset.done $0x0  }
0x1c: {  	[sflag:s13] =	ssyncadd.s32 $0xFFFFC000  }
0x1d: {  	_ =	swait.ge [sflag:s14], $0x4000  }
0x1e: {  	[sflag:s14] =	ssyncset.done $0x0  }
0x1f: {  	[sflag:s14] =	ssyncadd.s32 $0xFFFFC000  }
0x20: {  	[hbm4b:s5+s2] =	stream.linear.scatter [tilespmem:s11], [sflag:$0x3], $0x4000, $0x38;
	[tilespmem:$0x8100] =	vst v63  }
0x21: {  	_ =	swait.ge [sflag:s9], $0x4000  }
0x22: {  	[sflag:s9] =	ssyncset.done $0x0  }
0x23: {  	[sflag:s9] =	ssyncadd.s32 $0xFFFFC000  }
0x24: {  	[hbm4b:s6+s2] =	stream.linear.scatter [tilespmem:s12], [sflag:$0x3], $0x4000, $0x38;
	[tilespmem:$0x8100] =	vst v63  }
0x25: {  	s18 =	simm.s32 $0x10;
	s19 =	simm.s32 $0x20;
	_ =	swait.ge [sflag:s9], $0x4000  }
0x26: {  	s17 =	sadd.s32 $0x800, s5;
	s16 =	sadd.s32 $0x800, s6;
	[sflag:s9] =	ssyncset.done $0x0  }
.LBB2_2:
0x27: {  	s20 =	sadd.s32 s18, s8  }
0x28: {  	[sflag:s9] =	ssyncadd.s32 $0xFFFFC000;
	s21 =	smov.u32 s19;
	s22 =	sadd.s32 $0x10, s19  }
0x29: {  	[tilespmem:s2], [sflag:$0x3] =	stream.linear.gather [hbm4b:s20+s2], $0x80, $0x38;
	[tilespmem:$0x8100] =	vst v63  }
0x2a: {  	p0 =	sne.s32 s19, $0x4E0;
	_ =	swait.ge [sflag:s9], $0x80  }
0x2b: {  	[sflag:s9] =	ssyncset.done $0x0  }
0x2c: {  	s19 =	sadd.s32 s18, s7;
	s18 =	smov.u32 s21;
	[sflag:s9] =	ssyncadd.s32 $0xFFFFFF80  }
0x2d: {  	[tilespmem:s10], [sflag:$0x3] =	stream.linear.gather [hbm4b:s19+s2], $0x80, $0x38;
	[tilespmem:$0x8100] =	vst v63  }
0x2e: {  	_ =	swait.ge [sflag:s9], $0x80  }
0x2f: {  	[sflag:s9] =	ssyncset.done $0x0  }
0x30: {  	[sflag:s9] =	ssyncadd.s32 $0xFFFFFF80  }
0x31: {  	[tilespmem:s11], [sflag:$0x1] =	stream.indirect.gather [hbm4b:s3+s10], $0x80, s2, s10, $0xb8;
	[tilespmem:$0x8100] =	vst v63  }
0x32: {  	_ = 	snop  }
0x33: {  	[tilespmem:s12], [sflag:$0x2] =	stream.indirect.gather [hbm4b:s3+s10], $0x80, s10, s10, $0xb8;
	[tilespmem:$0x8100] =	vst v63  }
0x34: {  	_ =	swait.ge [sflag:s13], $0x4000  }
0x35: {  	[sflag:s13] =	ssyncset.done $0x0  }
0x36: {  	[sflag:s13] =	ssyncadd.s32 $0xFFFFC000  }
0x37: {  	_ =	swait.ge [sflag:s14], $0x4000  }
0x38: {  	[sflag:s14] =	ssyncset.done $0x0  }
0x39: {  	[sflag:s14] =	ssyncadd.s32 $0xFFFFC000  }
0x3a: {  	[hbm4b:s17+s2] =	stream.linear.scatter [tilespmem:s11], [sflag:$0x3], $0x4000, $0x38;
	[tilespmem:$0x8100] =	vst v63  }
0x3b: {  	_ =	swait.ge [sflag:s9], $0x4000  }
.Ltmp0:
0x3c: {  	[sflag:s9] =	ssyncset.done $0x0;
	(pc) =	sbr.rel @p0 .LBB2_2-.Ltmp0, $4  }
0x3d: {  	[sflag:s9] =	ssyncadd.s32 $0xFFFFC000  }
0x3e: {  	[hbm4b:s16+s2] =	stream.linear.scatter [tilespmem:s12], [sflag:$0x3], $0x4000, $0x38;
	[tilespmem:$0x8100] =	vst v63  }
0x3f: {  	s19 =	smov.u32 s22;
	_ =	swait.ge [sflag:s9], $0x4000  }
0x40: {  	s17 =	sadd.s32 $0x800, s17;
	s16 =	sadd.s32 $0x800, s16;
	[sflag:s9] =	ssyncset.done $0x0  }
0x41: {  	s19 =	sadd.s32 s18, s8;
	[sflag:s9] =	ssyncadd.s32 $0xFFFFC000  }
0x42: {  	[tilespmem:s2], [sflag:$0x3] =	stream.linear.gather [hbm4b:s19+s2], $0x80, $0x38;
	[tilespmem:$0x8100] =	vst v63  }
0x43: {  	_ =	swait.ge [sflag:s9], $0x80  }
0x44: {  	[sflag:s9] =	ssyncset.done $0x0  }
0x45: {  	s31 =	sadd.s32 s18, s7;
	[sflag:s9] =	ssyncadd.s32 $0xFFFFFF80  }
0x46: {  	[tilespmem:s10], [sflag:$0x3] =	stream.linear.gather [hbm4b:s31+s2], $0x80, $0x38;
	[tilespmem:$0x8100] =	vst v63  }
0x47: {  	_ =	swait.ge [sflag:s9], $0x80  }
0x48: {  	[sflag:s9] =	ssyncset.done $0x0  }
0x49: {  	[sflag:s9] =	ssyncadd.s32 $0xFFFFFF80  }
0x4a: {  	[tilespmem:s11], [sflag:$0x1] =	stream.indirect.gather [hbm4b:s3+s10], $0x80, s2, s10, $0xb8;
	[tilespmem:$0x8100] =	vst v63  }
0x4b: {  	_ = 	snop  }
0x4c: {  	[tilespmem:s12], [sflag:$0x2] =	stream.indirect.gather [hbm4b:s3+s10], $0x80, s10, s10, $0xb8;
	[tilespmem:$0x8100] =	vst v63  }
0x4d: {  	_ =	swait.ge [sflag:s13], $0x4000  }
0x4e: {  	[sflag:s13] =	ssyncset.done $0x0  }
0x4f: {  	[sflag:s13] =	ssyncadd.s32 $0xFFFFC000  }
0x50: {  	_ =	swait.ge [sflag:s14], $0x4000  }
0x51: {  	[sflag:s14] =	ssyncset.done $0x0  }
0x52: {  	[sflag:s14] =	ssyncadd.s32 $0xFFFFC000  }
0x53: {  	[hbm4b:s17+s2] =	stream.linear.scatter [tilespmem:s11], [sflag:$0x3], $0x4000, $0x38;
	[tilespmem:$0x8100] =	vst v63  }
0x54: {  	s15 =	sadd.s32 $0x1, s15;
	_ =	swait.ge [sflag:s9], $0x4000  }
0x55: {  	p0 =	sne.s32 s15, s4;
	[sflag:s9] =	ssyncset.done $0x0  }
.Ltmp1:
0x56: {  	[sflag:s9] =	ssyncadd.s32 $0xFFFFC000;
	(pc) =	sbr.rel @p0 .LBB2_1-.Ltmp1, $4  }
0x57: {  	[hbm4b:s16+s2] =	stream.linear.scatter [tilespmem:s12], [sflag:$0x3], $0x4000, $0x38;
	[tilespmem:$0x8100] =	vst v63  }
0x58: {  	_ =	swait.ge [sflag:s9], $0x4000  }
0x59: {  	[sflag:s9] =	ssyncset.done $0x0  }
0x5a: {  	[sflag:s9] =	ssyncadd.s32 $0xFFFFC000  }
0x5b: {  	_ =	sfence.sel $0x180000  }
0x5c: {  	[bflag:$0x0] =	sbarrier.arrive $0xFFFF  }
0x5d: {  	p0 =	sne.s32 s0, $0x0;
	_ =	strace $0x90000047  }
0x5e: {  	s0 =	sadd.s32 @!p0 $0x100000, s1;
	[bflag:$0x2] =	sbarrier.arrive $0xFFFF  }
0x5f: {  	[sflag:s0] =	ssyncadd.tile.s32 @!p0 $0x1;
	_ =	shalt  }
.Lfunc_end2:
_tile_overlayer_lowered:
.L_overlay_start_2:
0x60: {  	(tag) =	ssettag $0x2  }
0x61: {  	s0 =	rddreg [dreg:$0x0];
	s2 =	stileid.u32  }
0x62: {  	s1 =	rddreg [dreg:$0x1];
	p0 =	sne.s32 s2, $0x0  }
0x63: {  	s3 =	rddreg [dreg:$0x2];
	[bflag:$0x3] =	sbarrier.arrive $0xFFFF;
	s2 =	simm.s32 @!p0 $0x1C03  }
0x64: {  	[timem:s3], [sflag:s2] =	dma.local @!p0 [hbm:s0], s1  }
0x65: {  	s0 =	simm.s32 @!p0 $0x3  }
0x66: {  	_ =	swait.ge @!p0 [sflag:s0], s1  }
0x67: {  	s1 =	ssub.s32 @!p0 $0x0, s1;
	[sflag:s0] =	ssyncset.done @!p0 $0x0  }
0x68: {  	[sflag:s0] =	ssyncadd.s32 @!p0 s1  }
0x69: {  	[bflag:$0x3] =	sbarrier.arrive $0xFFFF  }
0x6a: {  	_ =	shalt  }

</sc_bundles>
